<compile_context>
chip_gen: v7x
topology: tpu7x:2x2x1
jax: 0.10.2.dev20260603
libtpu: 0.0.44.dev20260713+nightly
codegen_flags: <defaults>
</compile_context>

<pallas_src>
import math

import jax
import jax.numpy as jnp
import numpy as np
from jax.experimental import pallas as pl
from jax.experimental.pallas import tpu as pltpu

B, C, H, W = 4, 256, 50, 50
A = 15
STRIDE = 16
IMG = 800.0
PRE_NMS = 2000
POST_NMS = 1000
NMS_THRESH = np.float32(0.7)
BBOX_CLAMP = np.float32(math.log(1000.0 / 16.0))
MIN_SIZE = np.float32(1e-3)

HW = H * W
HWP = 2560
NT = 5
TW = HWP // NT
KP = 2048

_scales = np.array([32., 64., 128., 256., 512.], np.float32)
_ratios = np.array([0.5, 1.0, 2.0], np.float32)
_h_r = np.sqrt(_ratios).astype(np.float32)
_w_r = (np.float32(1.0) / _h_r).astype(np.float32)
_ws = (_w_r[:, None] * _scales[None, :]).reshape(-1)
_hs = (_h_r[:, None] * _scales[None, :]).reshape(-1)
_cell = np.round(np.stack([-_ws, -_hs, _ws, _hs], axis=1).astype(np.float32) / 2.0)
_AW = (_cell[:, 2] - _cell[:, 0]).astype(np.float32)
_AH = (_cell[:, 3] - _cell[:, 1]).astype(np.float32)
_ACX = (_cell[:, 0] + 0.5 * _AW).astype(np.float32)
_ACY = (_cell[:, 1] + 0.5 * _AH).astype(np.float32)


_ANCH = np.zeros((16, 4), np.float32)
_ANCH[:A, 0] = _AW
_ANCH[:A, 1] = _AH
_ANCH[:A, 2] = _ACX
_ANCH[:A, 3] = _ACY


def _head_kernel(anch_ref, xcol_ref, wmat_ref, convb_ref, clsw_ref, clsb_ref,
                 bboxw_ref, bboxb_ref, scores_ref, boxes_ref):
    t_idx = pl.program_id(1)
    x = xcol_ref[0]
    t = jnp.dot(wmat_ref[:, :], x, preferred_element_type=jnp.float32)
    t = jnp.maximum(t + convb_ref[:, :], 0.0)
    logits = jnp.dot(clsw_ref[:, :], t, preferred_element_type=jnp.float32)
    logits = logits + clsb_ref[:, :]
    d = jnp.dot(bboxw_ref[:, :], t, preferred_element_type=jnp.float32)
    d = d + bboxb_ref[:, :]
    dx, dy = d[0:A], d[A:2 * A]
    dw = jnp.minimum(d[2 * A:3 * A], BBOX_CLAMP)
    dh = jnp.minimum(d[3 * A:4 * A], BBOX_CLAMP)

    hw = t_idx * TW + jax.lax.broadcasted_iota(jnp.int32, (1, TW), 1)
    col = (hw % W).astype(jnp.float32) * np.float32(STRIDE)
    row = (hw // W).astype(jnp.float32) * np.float32(STRIDE)

    aw = anch_ref[0:A, 0:1]
    ah = anch_ref[0:A, 1:2]
    cx = col + anch_ref[0:A, 2:3]
    cy = row + anch_ref[0:A, 3:4]
    pcx = dx * aw + cx
    pcy = dy * ah + cy
    pw = jnp.exp(dw) * aw
    ph = jnp.exp(dh) * ah
    x0 = jnp.clip(pcx - 0.5 * pw, 0.0, IMG)
    y0 = jnp.clip(pcy - 0.5 * ph, 0.0, IMG)
    x1 = jnp.clip(pcx + 0.5 * pw, 0.0, IMG)
    y1 = jnp.clip(pcy + 0.5 * ph, 0.0, IMG)
    boxes_ref[0, 0:A] = x0
    boxes_ref[0, A:2 * A] = y0
    boxes_ref[0, 2 * A:3 * A] = x1
    boxes_ref[0, 3 * A:4 * A] = y1

    sig = jax.nn.sigmoid(logits[0:A])
    valid = ((x1 - x0) >= MIN_SIZE) & ((y1 - y0) >= MIN_SIZE)
    scores_ref[0, 0:A] = jnp.where(valid, sig, -1.0)
    scores_ref[0, A:A + 1] = jnp.full((1, TW), -1.0, jnp.float32)


def _nms_kernel(bv_ref, bs_ref, sc_ref, out_ref):
    x0 = bv_ref[0, 0]
    y0 = bv_ref[0, 1]
    x1 = bv_ref[0, 2]
    y1 = bv_ref[0, 3]
    area = (x1 - x0) * (y1 - y0)
    idxv = (jax.lax.broadcasted_iota(jnp.int32, (16, 128), 0) * 128
            + jax.lax.broadcasted_iota(jnp.int32, (16, 128), 1))

    def body(i, keep):
        x0i = bs_ref[0, i, 0]
        y0i = bs_ref[0, i, 1]
        x1i = bs_ref[0, i, 2]
        y1i = bs_ref[0, i, 3]
        ai = (x1i - x0i) * (y1i - y0i)
        keep_i = jnp.max(jnp.where(idxv == i, keep, 0.0))
        iw = jnp.maximum(jnp.minimum(x1, x1i) - jnp.maximum(x0, x0i), 0.0)
        ih = jnp.maximum(jnp.minimum(y1, y1i) - jnp.maximum(y0, y0i), 0.0)
        inter = iw * ih
        union = ((ai + area) - inter) + np.float32(1e-9)
        supp = (inter > NMS_THRESH * union) & (idxv > i)
        return jnp.where(supp & (keep_i > 0.0), 0.0, keep)

    keep = jax.lax.fori_loop(0, PRE_NMS, body, jnp.ones((16, 128), jnp.float32))
    out_ref[0] = jnp.where((keep > 0.0) & (idxv < PRE_NMS), sc_ref[0], -1.0)


def kernel(features, conv_w, conv_b, cls_w, cls_b, bbox_w, bbox_b):
    f32 = jnp.float32
    xpad = jnp.pad(features, ((0, 0), (0, 0), (1, 1), (1, 1)))
    cols = [xpad[:, :, dy:dy + H, dx:dx + W]
            for dy in range(3) for dx in range(3)]
    xcol = jnp.stack(cols, axis=1).reshape(B, 9 * C, HW)
    xcol = jnp.pad(xcol, ((0, 0), (0, 0), (0, HWP - HW)))
    wmat = conv_w.transpose(0, 2, 3, 1).reshape(C, 9 * C)
    convb = conv_b.reshape(C, 1)
    clsw = jnp.pad(cls_w.reshape(A, C), ((0, 1), (0, 0)))
    clsb = jnp.pad(cls_b, (0, 1)).reshape(A + 1, 1)
    bw = bbox_w.reshape(A, 4, C).transpose(1, 0, 2).reshape(4 * A, C)
    bboxw = jnp.pad(bw, ((0, 4), (0, 0)))
    bb = bbox_b.reshape(A, 4).transpose(1, 0).reshape(4 * A)
    bboxb = jnp.pad(bb, (0, 4)).reshape(4 * A + 4, 1)

    scores_g, boxes_g = pl.pallas_call(
        _head_kernel,
        grid=(B, NT),
        in_specs=[
            pl.BlockSpec((16, 4), lambda b, t: (0, 0)),
            pl.BlockSpec((1, 9 * C, TW), lambda b, t: (b, 0, t)),
            pl.BlockSpec((C, 9 * C), lambda b, t: (0, 0)),
            pl.BlockSpec((C, 1), lambda b, t: (0, 0)),
            pl.BlockSpec((A + 1, C), lambda b, t: (0, 0)),
            pl.BlockSpec((A + 1, 1), lambda b, t: (0, 0)),
            pl.BlockSpec((4 * A + 4, C), lambda b, t: (0, 0)),
            pl.BlockSpec((4 * A + 4, 1), lambda b, t: (0, 0)),
        ],
        out_specs=[
            pl.BlockSpec((1, A + 1, TW), lambda b, t: (b, 0, t)),
            pl.BlockSpec((1, 4 * A + 4, TW), lambda b, t: (b, 0, t)),
        ],
        out_shape=[
            jax.ShapeDtypeStruct((B, A + 1, HWP), f32),
            jax.ShapeDtypeStruct((B, 4 * A + 4, HWP), f32),
        ],
        compiler_params=pltpu.CompilerParams(
            dimension_semantics=("parallel", "parallel")),
    )(jnp.asarray(_ANCH), xcol, wmat, convb, clsw, clsb, bboxw, bboxb)

    scores = scores_g[:, :A, :HW].transpose(0, 2, 1).reshape(B, HW * A)
    boxes = (boxes_g[:, :4 * A, :HW].reshape(B, 4, A, HW)
             .transpose(0, 3, 2, 1).reshape(B, HW * A, 4))

    top_s, top_i = jax.lax.top_k(scores, PRE_NMS)
    boxes_top = jnp.take_along_axis(boxes, top_i[:, :, None], axis=1)
    bt = jnp.pad(boxes_top, ((0, 0), (0, KP - PRE_NMS), (0, 0)))
    bv = bt.transpose(0, 2, 1).reshape(B, 4, 16, 128)
    ts = jnp.pad(top_s, ((0, 0), (0, KP - PRE_NMS)),
                 constant_values=-1.0).reshape(B, 16, 128)

    kept = pl.pallas_call(
        _nms_kernel,
        grid=(B,),
        in_specs=[
            pl.BlockSpec((1, 4, 16, 128), lambda b: (b, 0, 0, 0)),
            pl.BlockSpec((1, KP, 4), lambda b: (b, 0, 0)),
            pl.BlockSpec((1, 16, 128), lambda b: (b, 0, 0)),
        ],
        out_specs=pl.BlockSpec((1, 16, 128), lambda b: (b, 0, 0)),
        out_shape=jax.ShapeDtypeStruct((B, 16, 128), f32),
        compiler_params=pltpu.CompilerParams(
            dimension_semantics=("parallel",)),
    )(bv, bt, ts)

    kept_scores = kept.reshape(B, KP)
    _, sel = jax.lax.top_k(kept_scores, POST_NMS)
    return jnp.take_along_axis(bt, sel[:, :, None], axis=1)

# --- scband reference (transcript-rebuilt; emitter-appended) ---
"""Pipeline reference for scband-region-proposal-network-89197880803948 (READ-ONLY COPY).

The authoritative reference and input builder live on the scoring server;
editing this copy changes nothing except your own understanding.
"""

import jax, jax.numpy as jnp
import numpy as np
import math

B, C, H, W = 4, 256, 50, 50
A = 15
STRIDE = 16
IMG = 800.0
PRE_NMS = 2000
POST_NMS = 1000
NMS_THRESH = 0.7
BBOX_CLAMP = math.log(1000.0 / 16.0)
MIN_SIZE = 1e-3


def setup_inputs(seed: int = 0) -> dict:
    key = jax.random.key(seed)
    ks = jax.random.split(key, 8)
    features = jax.random.normal(ks[0], (B, C, H, W), jnp.float32) * 0.1
    conv_w = jax.random.normal(ks[1], (C, C, 3, 3), jnp.float32) * 0.02
    conv_b = jnp.zeros((C,), jnp.float32)
    cls_w = jax.random.normal(ks[2], (A, C, 1, 1), jnp.float32) * 0.02
    cls_b = jnp.zeros((A,), jnp.float32)
    bbox_w = jax.random.normal(ks[3], (4 * A, C, 1, 1), jnp.float32) * 0.02
    bbox_b = jnp.zeros((4 * A,), jnp.float32)
    return {"features": features, "conv_w": conv_w, "conv_b": conv_b,
            "cls_w": cls_w, "cls_b": cls_b, "bbox_w": bbox_w, "bbox_b": bbox_b}


def _conv(x, w, b, pad):
    y = jax.lax.conv_general_dilated(x, w, (1, 1), pad,
                                     dimension_numbers=("NCHW", "OIHW", "NCHW"))
    return y + b[None, :, None, None]


def _cell_anchors():
    scales = jnp.array([32., 64., 128., 256., 512.], jnp.float32)
    ratios = jnp.array([0.5, 1.0, 2.0], jnp.float32)
    h_r = jnp.sqrt(ratios)
    w_r = 1.0 / h_r
    ws = (w_r[:, None] * scales[None, :]).reshape(-1)
    hs = (h_r[:, None] * scales[None, :]).reshape(-1)
    base = jnp.stack([-ws, -hs, ws, hs], axis=1) / 2.0
    return jnp.round(base)  # [A,4]


def _grid_anchors():
    cell = _cell_anchors()
    sy = jnp.arange(H, dtype=jnp.float32) * STRIDE
    sx = jnp.arange(W, dtype=jnp.float32) * STRIDE
    yy, xx = jnp.meshgrid(sy, sx, indexing="ij")
    shifts = jnp.stack([xx.reshape(-1), yy.reshape(-1), xx.reshape(-1), yy.reshape(-1)], axis=1)
    return (shifts[:, None, :] + cell[None, :, :]).reshape(-1, 4)  # [H*W*A,4]


def _decode(deltas, anchors):
    widths = anchors[:, 2] - anchors[:, 0]
    heights = anchors[:, 3] - anchors[:, 1]
    cx = anchors[:, 0] + 0.5 * widths
    cy = anchors[:, 1] + 0.5 * heights
    dx, dy, dw, dh = deltas[..., 0], deltas[..., 1], deltas[..., 2], deltas[..., 3]
    dw = jnp.minimum(dw, BBOX_CLAMP)
    dh = jnp.minimum(dh, BBOX_CLAMP)
    pcx = dx * widths + cx
    pcy = dy * heights + cy
    pw = jnp.exp(dw) * widths
    ph = jnp.exp(dh) * heights
    boxes = jnp.stack([pcx - 0.5 * pw, pcy - 0.5 * ph, pcx + 0.5 * pw, pcy + 0.5 * ph], axis=-1)
    return jnp.clip(boxes, 0.0, IMG)


def _nms(boxes, scores):
    # boxes [K,4] sorted by score desc, scores [K]
    b = jax.lax.stop_gradient(boxes)
    area = (b[:, 2] - b[:, 0]) * (b[:, 3] - b[:, 1])
    lt = jnp.maximum(b[:, None, :2], b[None, :, :2])
    rb = jnp.minimum(b[:, None, 2:], b[None, :, 2:])
    wh = jnp.clip(rb - lt, 0.0)
    inter = wh[..., 0] * wh[..., 1]
    iou = inter / (area[:, None] + area[None, :] - inter + 1e-9)
    K = boxes.shape[0]
    idxs = jnp.arange(K)

    def body(keep, i):
        suppress = (iou[i] > NMS_THRESH) & (idxs > i) & keep[i]
        return keep & (~suppress), None

    keep, _ = jax.lax.scan(body, jnp.ones((K,), bool), idxs)
    kept_scores = jnp.where(keep, scores, -1.0)
    _, top_i = jax.lax.top_k(kept_scores, POST_NMS)
    return boxes[top_i]


def _forward(features, conv_w, conv_b, cls_w, cls_b, bbox_w, bbox_b):
    t = jax.nn.relu(_conv(features, conv_w, conv_b, "SAME"))
    logits = _conv(t, cls_w, cls_b, "VALID")   # [B,A,H,W]
    deltas = _conv(t, bbox_w, bbox_b, "VALID")  # [B,4A,H,W]
    # permute_and_flatten semantics: (N,A,C,H,W) -> (N,H,W,A,C) -> (N,-1,C)
    logits = logits.reshape(B, A, 1, H, W).transpose(0, 3, 4, 1, 2).reshape(B, -1)
    deltas = deltas.reshape(B, A, 4, H, W).transpose(0, 3, 4, 1, 2).reshape(B, -1, 4)
    anchors = _grid_anchors()
    boxes = _decode(deltas, anchors)  # [B,N,4]
    scores = jax.nn.sigmoid(logits)   # [B,N]
    ws = boxes[..., 2] - boxes[..., 0]
    hs = boxes[..., 3] - boxes[..., 1]
    valid = (ws >= MIN_SIZE) & (hs >= MIN_SIZE)
    scores = jnp.where(valid, scores, -1.0)
    top_s, top_i = jax.lax.top_k(scores, PRE_NMS)
    boxes_top = jnp.take_along_axis(boxes, top_i[:, :, None], axis=1)
    proposals = jax.vmap(_nms)(boxes_top, top_s)  # [B,POST_NMS,4]
    return proposals


def reference(features, conv_w, conv_b, cls_w, cls_b, bbox_w, bbox_b):
    return _forward(features, conv_w, conv_b, cls_w, cls_b, bbox_w, bbox_b)

if __name__ == "__main__":
    import jax
    _d = setup_inputs()
    print(jax.jit(kernel)(*tuple(_d.values())))

</pallas_src>

<mosaic_0001>
module attributes {stable_mosaic.version = 14 : i64} {
  func.func @_head_kernel(%arg0: i32, %arg1: i32, %arg2: memref<16x4xf32, #tpu.memory_space<vmem>>, %arg3: memref<1x2304x512xf32, #tpu.memory_space<vmem>>, %arg4: memref<256x2304xf32, #tpu.memory_space<vmem>>, %arg5: memref<256x1xf32, #tpu.memory_space<vmem>>, %arg6: memref<16x256xf32, #tpu.memory_space<vmem>>, %arg7: memref<16x1xf32, #tpu.memory_space<vmem>>, %arg8: memref<64x256xf32, #tpu.memory_space<vmem>>, %arg9: memref<64x1xf32, #tpu.memory_space<vmem>>, %arg10: memref<1x16x512xf32, #tpu.memory_space<vmem>>, %arg11: memref<1x64x512xf32, #tpu.memory_space<vmem>>) attributes {dimension_semantics = [#tpu.dimension_semantics<parallel>, #tpu.dimension_semantics<parallel>], iteration_bounds = array<i64: 4, 5>, scalar_prefetch = 0 : i64, scratch_operands = 0 : i64, tpu.core_type = #tpu.core_type<tc>, window_params = [{pipeline_mode = #tpu.pipeline_mode<synchronous>, transform_indices = @transform_0, window_bounds = array<i64: 16, 4>}, {transform_indices = @transform_1, window_bounds = array<i64: 1, 2304, 512>}, {pipeline_mode = #tpu.pipeline_mode<synchronous>, transform_indices = @transform_2, window_bounds = array<i64: 256, 2304>}, {pipeline_mode = #tpu.pipeline_mode<synchronous>, transform_indices = @transform_3, window_bounds = array<i64: 256, 1>}, {pipeline_mode = #tpu.pipeline_mode<synchronous>, transform_indices = @transform_4, window_bounds = array<i64: 16, 256>}, {pipeline_mode = #tpu.pipeline_mode<synchronous>, transform_indices = @transform_5, window_bounds = array<i64: 16, 1>}, {pipeline_mode = #tpu.pipeline_mode<synchronous>, transform_indices = @transform_6, window_bounds = array<i64: 64, 256>}, {pipeline_mode = #tpu.pipeline_mode<synchronous>, transform_indices = @transform_7, window_bounds = array<i64: 64, 1>}, {transform_indices = @transform_8, window_bounds = array<i64: 1, 16, 512>}, {transform_indices = @transform_9, window_bounds = array<i64: 1, 64, 512>}]} {
    %get3A = arith.constant 0 : index
    %get3A_0 = arith.constant 0 : index
    %get3A_1 = arith.constant 0 : index
    %get3A_2 = vector.load %arg3[%get3A, %get3A_0, %get3A_1] : memref<1x2304x512xf32, #tpu.memory_space<vmem>>, vector<1x2304x512xf32>
    %get3A_3 = vector.shape_cast %get3A_2 : vector<1x2304x512xf32> to vector<2304x512xf32>
    %get3A_4 = arith.constant 0 : index
    %get3A_5 = arith.constant 0 : index
    %get3A_6 = vector.load %arg4[%get3A_4, %get3A_5] : memref<256x2304xf32, #tpu.memory_space<vmem>>, vector<256x2304xf32>
    %dot_general3A = arith.constant dense<0.000000e+00> : vector<256x512xf32>
    %dot_general3A_7 = tpu.matmul %get3A_6, %get3A_3, %dot_general3A {dimension_numbers = #tpu.dot_dimension_numbers<[1], [0], [0], [1], [0, 0, 1, 1], [], []>, transpose_lhs_hint = false} : vector<256x2304xf32>, vector<2304x512xf32>, vector<256x512xf32> -> vector<256x512xf32>
    %get3A_8 = arith.constant 0 : index
    %get3A_9 = arith.constant 0 : index
    %get3A_10 = vector.load %arg5[%get3A_8, %get3A_9] : memref<256x1xf32, #tpu.memory_space<vmem>>, vector<256x1xf32>
    %add3A = vector.broadcast %get3A_10 : vector<256x1xf32> to vector<256x512xf32>
    %add3A_11 = arith.addf %dot_general3A_7, %add3A : vector<256x512xf32>
    %max3A = arith.constant 0.000000e+00 : f32
    %max3A_12 = vector.broadcast %max3A : f32 to vector<256x512xf32>
    %max3A_13 = arith.maximumf %add3A_11, %max3A_12 : vector<256x512xf32>
    %get3A_14 = arith.constant 0 : index
    %get3A_15 = arith.constant 0 : index
    %get3A_16 = vector.load %arg6[%get3A_14, %get3A_15] : memref<16x256xf32, #tpu.memory_space<vmem>>, vector<16x256xf32>
    %dot_general3A_17 = arith.constant dense<0.000000e+00> : vector<16x512xf32>
    %dot_general3A_18 = tpu.matmul %get3A_16, %max3A_13, %dot_general3A_17 {dimension_numbers = #tpu.dot_dimension_numbers<[1], [0], [0], [1], [0, 0, 1, 1], [], []>, transpose_lhs_hint = false} : vector<16x256xf32>, vector<256x512xf32>, vector<16x512xf32> -> vector<16x512xf32>
    %get3A_19 = arith.constant 0 : index
    %get3A_20 = arith.constant 0 : index
    %get3A_21 = vector.load %arg7[%get3A_19, %get3A_20] : memref<16x1xf32, #tpu.memory_space<vmem>>, vector<16x1xf32>
    %add3A_22 = vector.broadcast %get3A_21 : vector<16x1xf32> to vector<16x512xf32>
    %add3A_23 = arith.addf %dot_general3A_18, %add3A_22 : vector<16x512xf32>
    %get3A_24 = arith.constant 0 : index
    %get3A_25 = arith.constant 0 : index
    %get3A_26 = vector.load %arg8[%get3A_24, %get3A_25] : memref<64x256xf32, #tpu.memory_space<vmem>>, vector<64x256xf32>
    %dot_general3A_27 = arith.constant dense<0.000000e+00> : vector<64x512xf32>
    %dot_general3A_28 = tpu.matmul %get3A_26, %max3A_13, %dot_general3A_27 {dimension_numbers = #tpu.dot_dimension_numbers<[1], [0], [0], [1], [0, 0, 1, 1], [], []>, transpose_lhs_hint = false} : vector<64x256xf32>, vector<256x512xf32>, vector<64x512xf32> -> vector<64x512xf32>
    %get3A_29 = arith.constant 0 : index
    %get3A_30 = arith.constant 0 : index
    %get3A_31 = vector.load %arg9[%get3A_29, %get3A_30] : memref<64x1xf32, #tpu.memory_space<vmem>>, vector<64x1xf32>
    %add3A_32 = vector.broadcast %get3A_31 : vector<64x1xf32> to vector<64x512xf32>
    %add3A_33 = arith.addf %dot_general3A_28, %add3A_32 : vector<64x512xf32>
    %slice3A = vector.extract_strided_slice %add3A_33 {offsets = [0, 0], sizes = [15, 512], strides = [1, 1]} : vector<64x512xf32> to vector<15x512xf32>
    %slice3A_34 = vector.extract_strided_slice %add3A_33 {offsets = [15, 0], sizes = [15, 512], strides = [1, 1]} : vector<64x512xf32> to vector<15x512xf32>
    %slice3A_35 = vector.extract_strided_slice %add3A_33 {offsets = [30, 0], sizes = [15, 512], strides = [1, 1]} : vector<64x512xf32> to vector<15x512xf32>
    %min3A = arith.constant 4.13516665 : f32
    %min3A_36 = vector.broadcast %min3A : f32 to vector<15x512xf32>
    %min3A_37 = arith.minimumf %slice3A_35, %min3A_36 : vector<15x512xf32>
    %slice3A_38 = vector.extract_strided_slice %add3A_33 {offsets = [45, 0], sizes = [15, 512], strides = [1, 1]} : vector<64x512xf32> to vector<15x512xf32>
    %min3A_39 = arith.constant 4.13516665 : f32
    %min3A_40 = vector.broadcast %min3A_39 : f32 to vector<15x512xf32>
    %min3A_41 = arith.minimumf %slice3A_38, %min3A_40 : vector<15x512xf32>
    %mul3A = arith.constant 512 : i32
    %mul3A_42 = arith.muli %arg1, %mul3A : i32
    %iota3A = tpu.iota {dimensions = array<i32: 1>} : vector<1x512xi32>
    %add3A_43 = vector.broadcast %mul3A_42 : i32 to vector<1x512xi32>
    %add3A_44 = arith.addi %add3A_43, %iota3A : vector<1x512xi32>
    %jit3A = arith.constant 50 : i32
    %eq3A = arith.constant 0 : i32
    %eq3A_45 = arith.cmpi eq, %jit3A, %eq3A : i32
    %jit3A_46 = arith.constant 1 : i32
    %select_n3A = arith.select %eq3A_45, %jit3A_46, %jit3A : i32
    %rem3A = vector.broadcast %select_n3A : i32 to vector<1x512xi32>
    %rem3A_47 = arith.remsi %add3A_44, %rem3A : vector<1x512xi32>
    %ne3A = arith.constant 0 : i32
    %ne3A_48 = vector.broadcast %ne3A : i32 to vector<1x512xi32>
    %ne3A_49 = arith.cmpi ne, %rem3A_47, %ne3A_48 : vector<1x512xi32>
    %lt3A = arith.constant 0 : i32
    %lt3A_50 = vector.broadcast %lt3A : i32 to vector<1x512xi32>
    %lt3A_51 = arith.cmpi slt, %rem3A_47, %lt3A_50 : vector<1x512xi32>
    %lt3A_52 = arith.constant 0 : i32
    %lt3A_53 = arith.cmpi slt, %select_n3A, %lt3A_52 : i32
    %ne3A_54 = vector.broadcast %lt3A_53 : i1 to vector<1x512xi1>
    %ne3A_55 = vector.broadcast %ne3A_54 : vector<1x512xi1> to vector<1x512xi1>
    %ne3A_56 = arith.xori %lt3A_51, %ne3A_55 : vector<1x512xi1>
    %and3A = arith.andi %ne3A_56, %ne3A_49 : vector<1x512xi1>
    %add3A_57 = vector.broadcast %select_n3A : i32 to vector<1x512xi32>
    %add3A_58 = arith.addi %rem3A_47, %add3A_57 : vector<1x512xi32>
    %select_n3A_59 = arith.select %and3A, %add3A_58, %rem3A_47 : vector<1x512xi1>, vector<1x512xi32>
    %convert_element_type3A = arith.sitofp %select_n3A_59 : vector<1x512xi32> to vector<1x512xf32>
    %mul3A_60 = arith.constant 1.600000e+01 : f32
    %mul3A_61 = vector.broadcast %mul3A_60 : f32 to vector<1x512xf32>
    %mul3A_62 = arith.mulf %convert_element_type3A, %mul3A_61 : vector<1x512xf32>
    %jit3A_63 = arith.constant 50 : i32
    %div3A = vector.broadcast %jit3A_63 : i32 to vector<1x512xi32>
    %div3A_64 = arith.divsi %add3A_44, %div3A : vector<1x512xi32>
    %sign3A = arith.constant 0 : i32
    %sign3A_65 = vector.broadcast %sign3A : i32 to vector<1x512xi32>
    %sign3A_66 = arith.cmpi sgt, %add3A_44, %sign3A_65 : vector<1x512xi32>
    %sign3A_67 = arith.extui %sign3A_66 : vector<1x512xi1> to vector<1x512xi32>
    %sign3A_68 = arith.constant 0 : i32
    %sign3A_69 = vector.broadcast %sign3A_68 : i32 to vector<1x512xi32>
    %sign3A_70 = arith.cmpi slt, %add3A_44, %sign3A_69 : vector<1x512xi32>
    %sign3A_71 = arith.extui %sign3A_70 : vector<1x512xi1> to vector<1x512xi32>
    %sign3A_72 = arith.subi %sign3A_67, %sign3A_71 : vector<1x512xi32>
    %sign3A_73 = arith.constant 0 : i32
    %sign3A_74 = arith.cmpi sgt, %jit3A_63, %sign3A_73 : i32
    %sign3A_75 = arith.extui %sign3A_74 : i1 to i32
    %sign3A_76 = arith.constant 0 : i32
    %sign3A_77 = arith.cmpi slt, %jit3A_63, %sign3A_76 : i32
    %sign3A_78 = arith.extui %sign3A_77 : i1 to i32
    %sign3A_79 = arith.subi %sign3A_75, %sign3A_78 : i32
    %ne3A_80 = vector.broadcast %sign3A_79 : i32 to vector<1x512xi32>
    %ne3A_81 = arith.cmpi ne, %sign3A_72, %ne3A_80 : vector<1x512xi32>
    %rem3A_82 = vector.broadcast %jit3A_63 : i32 to vector<1x512xi32>
    %rem3A_83 = arith.remsi %add3A_44, %rem3A_82 : vector<1x512xi32>
    %ne3A_84 = arith.constant 0 : i32
    %ne3A_85 = vector.broadcast %ne3A_84 : i32 to vector<1x512xi32>
    %ne3A_86 = arith.cmpi ne, %rem3A_83, %ne3A_85 : vector<1x512xi32>
    %and3A_87 = arith.andi %ne3A_81, %ne3A_86 : vector<1x512xi1>
    %sub3A = arith.constant 1 : i32
    %sub3A_88 = vector.broadcast %sub3A : i32 to vector<1x512xi32>
    %sub3A_89 = arith.subi %div3A_64, %sub3A_88 : vector<1x512xi32>
    %select_n3A_90 = arith.select %and3A_87, %sub3A_89, %div3A_64 : vector<1x512xi1>, vector<1x512xi32>
    %convert_element_type3A_91 = arith.sitofp %select_n3A_90 : vector<1x512xi32> to vector<1x512xf32>
    %mul3A_92 = arith.constant 1.600000e+01 : f32
    %mul3A_93 = vector.broadcast %mul3A_92 : f32 to vector<1x512xf32>
    %mul3A_94 = arith.mulf %convert_element_type3A_91, %mul3A_93 : vector<1x512xf32>
    %get3A_95 = arith.constant 0 : index
    %get3A_96 = arith.constant 0 : index
    %get3A_97 = vector.load %arg2[%get3A_95, %get3A_96] : memref<16x4xf32, #tpu.memory_space<vmem>>, vector<15x1xf32>
    %get3A_98 = arith.constant 0 : index
    %get3A_99 = arith.constant 1 : index
    %get3A_100 = vector.load %arg2[%get3A_98, %get3A_99] : memref<16x4xf32, #tpu.memory_space<vmem>>, vector<15x1xf32>
    %get3A_101 = arith.constant 0 : index
    %get3A_102 = arith.constant 2 : index
    %get3A_103 = vector.load %arg2[%get3A_101, %get3A_102] : memref<16x4xf32, #tpu.memory_space<vmem>>, vector<15x1xf32>
    %add3A_104 = vector.broadcast %mul3A_62 : vector<1x512xf32> to vector<15x512xf32>
    %add3A_105 = vector.broadcast %get3A_103 : vector<15x1xf32> to vector<15x512xf32>
    %add3A_106 = arith.addf %add3A_104, %add3A_105 : vector<15x512xf32>
    %get3A_107 = arith.constant 0 : index
    %get3A_108 = arith.constant 3 : index
    %get3A_109 = vector.load %arg2[%get3A_107, %get3A_108] : memref<16x4xf32, #tpu.memory_space<vmem>>, vector<15x1xf32>
    %add3A_110 = vector.broadcast %mul3A_94 : vector<1x512xf32> to vector<15x512xf32>
    %add3A_111 = vector.broadcast %get3A_109 : vector<15x1xf32> to vector<15x512xf32>
    %add3A_112 = arith.addf %add3A_110, %add3A_111 : vector<15x512xf32>
    %mul3A_113 = vector.broadcast %get3A_97 : vector<15x1xf32> to vector<15x512xf32>
    %mul3A_114 = arith.mulf %slice3A, %mul3A_113 : vector<15x512xf32>
    %add3A_115 = arith.addf %mul3A_114, %add3A_106 : vector<15x512xf32>
    %mul3A_116 = vector.broadcast %get3A_100 : vector<15x1xf32> to vector<15x512xf32>
    %mul3A_117 = arith.mulf %slice3A_34, %mul3A_116 : vector<15x512xf32>
    %add3A_118 = arith.addf %mul3A_117, %add3A_112 : vector<15x512xf32>
    %exp3A = math.exp %min3A_37 : vector<15x512xf32>
    %mul3A_119 = vector.broadcast %get3A_97 : vector<15x1xf32> to vector<15x512xf32>
    %mul3A_120 = arith.mulf %exp3A, %mul3A_119 : vector<15x512xf32>
    %exp3A_121 = math.exp %min3A_41 : vector<15x512xf32>
    %mul3A_122 = vector.broadcast %get3A_100 : vector<15x1xf32> to vector<15x512xf32>
    %mul3A_123 = arith.mulf %exp3A_121, %mul3A_122 : vector<15x512xf32>
    %mul3A_124 = arith.constant 5.000000e-01 : f32
    %mul3A_125 = vector.broadcast %mul3A_124 : f32 to vector<15x512xf32>
    %mul3A_126 = arith.mulf %mul3A_125, %mul3A_120 : vector<15x512xf32>
    %sub3A_127 = arith.subf %add3A_115, %mul3A_126 : vector<15x512xf32>
    %jit3A_128 = arith.constant 0.000000e+00 : f32
    %jit3A_129 = arith.constant 8.000000e+02 : f32
    %max3A_130 = vector.broadcast %jit3A_128 : f32 to vector<15x512xf32>
    %max3A_131 = arith.maximumf %max3A_130, %sub3A_127 : vector<15x512xf32>
    %min3A_132 = vector.broadcast %jit3A_129 : f32 to vector<15x512xf32>
    %min3A_133 = arith.minimumf %min3A_132, %max3A_131 : vector<15x512xf32>
    %mul3A_134 = arith.constant 5.000000e-01 : f32
    %mul3A_135 = vector.broadcast %mul3A_134 : f32 to vector<15x512xf32>
    %mul3A_136 = arith.mulf %mul3A_135, %mul3A_123 : vector<15x512xf32>
    %sub3A_137 = arith.subf %add3A_118, %mul3A_136 : vector<15x512xf32>
    %jit3A_138 = arith.constant 0.000000e+00 : f32
    %jit3A_139 = arith.constant 8.000000e+02 : f32
    %max3A_140 = vector.broadcast %jit3A_138 : f32 to vector<15x512xf32>
    %max3A_141 = arith.maximumf %max3A_140, %sub3A_137 : vector<15x512xf32>
    %min3A_142 = vector.broadcast %jit3A_139 : f32 to vector<15x512xf32>
    %min3A_143 = arith.minimumf %min3A_142, %max3A_141 : vector<15x512xf32>
    %mul3A_144 = arith.constant 5.000000e-01 : f32
    %mul3A_145 = vector.broadcast %mul3A_144 : f32 to vector<15x512xf32>
    %mul3A_146 = arith.mulf %mul3A_145, %mul3A_120 : vector<15x512xf32>
    %add3A_147 = arith.addf %add3A_115, %mul3A_146 : vector<15x512xf32>
    %jit3A_148 = arith.constant 0.000000e+00 : f32
    %jit3A_149 = arith.constant 8.000000e+02 : f32
    %max3A_150 = vector.broadcast %jit3A_148 : f32 to vector<15x512xf32>
    %max3A_151 = arith.maximumf %max3A_150, %add3A_147 : vector<15x512xf32>
    %min3A_152 = vector.broadcast %jit3A_149 : f32 to vector<15x512xf32>
    %min3A_153 = arith.minimumf %min3A_152, %max3A_151 : vector<15x512xf32>
    %mul3A_154 = arith.constant 5.000000e-01 : f32
    %mul3A_155 = vector.broadcast %mul3A_154 : f32 to vector<15x512xf32>
    %mul3A_156 = arith.mulf %mul3A_155, %mul3A_123 : vector<15x512xf32>
    %add3A_157 = arith.addf %add3A_118, %mul3A_156 : vector<15x512xf32>
    %jit3A_158 = arith.constant 0.000000e+00 : f32
    %jit3A_159 = arith.constant 8.000000e+02 : f32
    %max3A_160 = vector.broadcast %jit3A_158 : f32 to vector<15x512xf32>
    %max3A_161 = arith.maximumf %max3A_160, %add3A_157 : vector<15x512xf32>
    %min3A_162 = vector.broadcast %jit3A_159 : f32 to vector<15x512xf32>
    %min3A_163 = arith.minimumf %min3A_162, %max3A_161 : vector<15x512xf32>
    %swap3A = arith.constant 0 : index
    %swap3A_164 = arith.constant 0 : index
    %swap3A_165 = arith.constant 0 : index
    %swap3A_166 = vector.load %arg11[%swap3A, %swap3A_164, %swap3A_165] : memref<1x64x512xf32, #tpu.memory_space<vmem>>, vector<1x15x512xf32>
    %swap3A_167 = vector.shape_cast %swap3A_166 : vector<1x15x512xf32> to vector<15x512xf32>
    %swap3A_168 = vector.shape_cast %min3A_133 : vector<15x512xf32> to vector<1x15x512xf32>
    tpu.vector_store %arg11[%swap3A, %swap3A_164, %swap3A_165], %swap3A_168 {strides = array<i32>} : memref<1x64x512xf32, #tpu.memory_space<vmem>>, vector<1x15x512xf32>,
    %swap3A_169 = arith.constant 0 : index
    %swap3A_170 = arith.constant 15 : index
    %swap3A_171 = arith.constant 0 : index
    %swap3A_172 = vector.load %arg11[%swap3A_169, %swap3A_170, %swap3A_171] : memref<1x64x512xf32, #tpu.memory_space<vmem>>, vector<1x15x512xf32>
    %swap3A_173 = vector.shape_cast %swap3A_172 : vector<1x15x512xf32> to vector<15x512xf32>
    %swap3A_174 = vector.shape_cast %min3A_143 : vector<15x512xf32> to vector<1x15x512xf32>
    tpu.vector_store %arg11[%swap3A_169, %swap3A_170, %swap3A_171], %swap3A_174 {strides = array<i32>} : memref<1x64x512xf32, #tpu.memory_space<vmem>>, vector<1x15x512xf32>,
    %swap3A_175 = arith.constant 0 : index
    %swap3A_176 = arith.constant 30 : index
    %swap3A_177 = arith.constant 0 : index
    %swap3A_178 = vector.load %arg11[%swap3A_175, %swap3A_176, %swap3A_177] : memref<1x64x512xf32, #tpu.memory_space<vmem>>, vector<1x15x512xf32>
    %swap3A_179 = vector.shape_cast %swap3A_178 : vector<1x15x512xf32> to vector<15x512xf32>
    %swap3A_180 = vector.shape_cast %min3A_153 : vector<15x512xf32> to vector<1x15x512xf32>
    tpu.vector_store %arg11[%swap3A_175, %swap3A_176, %swap3A_177], %swap3A_180 {strides = array<i32>} : memref<1x64x512xf32, #tpu.memory_space<vmem>>, vector<1x15x512xf32>,
    %swap3A_181 = arith.constant 0 : index
    %swap3A_182 = arith.constant 45 : index
    %swap3A_183 = arith.constant 0 : index
    %swap3A_184 = vector.load %arg11[%swap3A_181, %swap3A_182, %swap3A_183] : memref<1x64x512xf32, #tpu.memory_space<vmem>>, vector<1x15x512xf32>
    %swap3A_185 = vector.shape_cast %swap3A_184 : vector<1x15x512xf32> to vector<15x512xf32>
    %swap3A_186 = vector.shape_cast %min3A_163 : vector<15x512xf32> to vector<1x15x512xf32>
    tpu.vector_store %arg11[%swap3A_181, %swap3A_182, %swap3A_183], %swap3A_186 {strides = array<i32>} : memref<1x64x512xf32, #tpu.memory_space<vmem>>, vector<1x15x512xf32>,
    %slice3A_187 = vector.extract_strided_slice %add3A_23 {offsets = [0, 0], sizes = [15, 512], strides = [1, 1]} : vector<16x512xf32> to vector<15x512xf32>
    %logistic3A = arith.negf %slice3A_187 : vector<15x512xf32>
    %logistic3A_188 = math.exp %logistic3A : vector<15x512xf32>
    %logistic3A_189 = arith.constant 1.000000e+00 : f32
    %logistic3A_190 = vector.broadcast %logistic3A_189 : f32 to vector<15x512xf32>
    %logistic3A_191 = arith.addf %logistic3A_190, %logistic3A_188 : vector<15x512xf32>
    %logistic3A_192 = arith.divf %logistic3A_190, %logistic3A_191 : vector<15x512xf32>
    %sub3A_193 = arith.subf %min3A_153, %min3A_133 : vector<15x512xf32>
    %ge3A = arith.constant 1.000000e-03 : f32
    %ge3A_194 = vector.broadcast %ge3A : f32 to vector<15x512xf32>
    %ge3A_195 = arith.cmpf oge, %sub3A_193, %ge3A_194 : vector<15x512xf32>
    %sub3A_196 = arith.subf %min3A_163, %min3A_143 : vector<15x512xf32>
    %ge3A_197 = arith.constant 1.000000e-03 : f32
    %ge3A_198 = vector.broadcast %ge3A_197 : f32 to vector<15x512xf32>
    %ge3A_199 = arith.cmpf oge, %sub3A_196, %ge3A_198 : vector<15x512xf32>
    %and3A_200 = arith.andi %ge3A_195, %ge3A_199 : vector<15x512xi1>
    %jit3A_201 = arith.constant -1.000000e+00 : f32
    %broadcast_in_dim3A = vector.broadcast %jit3A_201 : f32 to vector<15x512xf32>
    %select_n3A_202 = arith.select %and3A_200, %logistic3A_192, %broadcast_in_dim3A : vector<15x512xi1>, vector<15x512xf32>
    %swap3A_203 = arith.constant 0 : index
    %swap3A_204 = arith.constant 0 : index
    %swap3A_205 = arith.constant 0 : index
    %swap3A_206 = vector.load %arg10[%swap3A_203, %swap3A_204, %swap3A_205] : memref<1x16x512xf32, #tpu.memory_space<vmem>>, vector<1x15x512xf32>
    %swap3A_207 = vector.shape_cast %swap3A_206 : vector<1x15x512xf32> to vector<15x512xf32>
    %swap3A_208 = vector.shape_cast %select_n3A_202 : vector<15x512xf32> to vector<1x15x512xf32>
    tpu.vector_store %arg10[%swap3A_203, %swap3A_204, %swap3A_205], %swap3A_208 {strides = array<i32>} : memref<1x16x512xf32, #tpu.memory_space<vmem>>, vector<1x15x512xf32>,
    %broadcast_in_dim3A_209 = arith.constant -1.000000e+00 : f32
    %broadcast_in_dim3A_210 = vector.broadcast %broadcast_in_dim3A_209 : f32 to vector<1x512xf32>
    %swap3A_211 = arith.constant 0 : index
    %swap3A_212 = arith.constant 15 : index
    %swap3A_213 = arith.constant 0 : index
    %swap3A_214 = vector.load %arg10[%swap3A_211, %swap3A_212, %swap3A_213] : memref<1x16x512xf32, #tpu.memory_space<vmem>>, vector<1x1x512xf32>
    %swap3A_215 = vector.shape_cast %swap3A_214 : vector<1x1x512xf32> to vector<1x512xf32>
    %swap3A_216 = vector.shape_cast %broadcast_in_dim3A_210 : vector<1x512xf32> to vector<1x1x512xf32>
    tpu.vector_store %arg10[%swap3A_211, %swap3A_212, %swap3A_213], %swap3A_216 {strides = array<i32>} : memref<1x16x512xf32, #tpu.memory_space<vmem>>, vector<1x1x512xf32>,
    return
  }
  func.func @transform_0(%arg0: i32, %arg1: i32) -> (i32, i32) {
    %c0_i32 = arith.constant 0 : i32
    %c0_i32_0 = arith.constant 0 : i32
    %c0_i32_1 = arith.constant 0 : i32
    return %c0_i32, %c0_i32_0 : i32, i32
  }
  func.func @transform_1(%arg0: i32, %arg1: i32) -> (i32, i32, i32) {
    %c0_i32 = arith.constant 0 : i32
    %c0_i32_0 = arith.constant 0 : i32
    return %arg0, %c0_i32, %arg1 : i32, i32, i32
  }
  func.func @transform_2(%arg0: i32, %arg1: i32) -> (i32, i32) {
    %c0_i32 = arith.constant 0 : i32
    %c0_i32_0 = arith.constant 0 : i32
    %c0_i32_1 = arith.constant 0 : i32
    return %c0_i32, %c0_i32_0 : i32, i32
  }
  func.func @transform_3(%arg0: i32, %arg1: i32) -> (i32, i32) {
    %c0_i32 = arith.constant 0 : i32
    %c0_i32_0 = arith.constant 0 : i32
    %c0_i32_1 = arith.constant 0 : i32
    return %c0_i32, %c0_i32_0 : i32, i32
  }
  func.func @transform_4(%arg0: i32, %arg1: i32) -> (i32, i32) {
    %c0_i32 = arith.constant 0 : i32
    %c0_i32_0 = arith.constant 0 : i32
    %c0_i32_1 = arith.constant 0 : i32
    return %c0_i32, %c0_i32_0 : i32, i32
  }
  func.func @transform_5(%arg0: i32, %arg1: i32) -> (i32, i32) {
    %c0_i32 = arith.constant 0 : i32
    %c0_i32_0 = arith.constant 0 : i32
    %c0_i32_1 = arith.constant 0 : i32
    return %c0_i32, %c0_i32_0 : i32, i32
  }
  func.func @transform_6(%arg0: i32, %arg1: i32) -> (i32, i32) {
    %c0_i32 = arith.constant 0 : i32
    %c0_i32_0 = arith.constant 0 : i32
    %c0_i32_1 = arith.constant 0 : i32
    return %c0_i32, %c0_i32_0 : i32, i32
  }
  func.func @transform_7(%arg0: i32, %arg1: i32) -> (i32, i32) {
    %c0_i32 = arith.constant 0 : i32
    %c0_i32_0 = arith.constant 0 : i32
    %c0_i32_1 = arith.constant 0 : i32
    return %c0_i32, %c0_i32_0 : i32, i32
  }
  func.func @transform_8(%arg0: i32, %arg1: i32) -> (i32, i32, i32) {
    %c0_i32 = arith.constant 0 : i32
    %c0_i32_0 = arith.constant 0 : i32
    return %arg0, %c0_i32, %arg1 : i32, i32, i32
  }
  func.func @transform_9(%arg0: i32, %arg1: i32) -> (i32, i32, i32) {
    %c0_i32 = arith.constant 0 : i32
    %c0_i32_0 = arith.constant 0 : i32
    return %arg0, %c0_i32, %arg1 : i32, i32, i32
  }
}

module attributes {stable_mosaic.version = 14 : i64} {
  func.func @_nms_kernel(%arg0: i32, %arg1: memref<1x4x16x128xf32, #tpu.memory_space<vmem>>, %arg2: memref<1x2048x4xf32, #tpu.memory_space<vmem>>, %arg3: memref<1x16x128xf32, #tpu.memory_space<vmem>>, %arg4: memref<1x16x128xf32, #tpu.memory_space<vmem>>) attributes {dimension_semantics = [#tpu.dimension_semantics<parallel>], iteration_bounds = array<i64: 4>, scalar_prefetch = 0 : i64, scratch_operands = 0 : i64, tpu.core_type = #tpu.core_type<tc>, window_params = [{transform_indices = @transform_0, window_bounds = array<i64: 1, 4, 16, 128>}, {transform_indices = @transform_1, window_bounds = array<i64: 1, 2048, 4>}, {transform_indices = @transform_2, window_bounds = array<i64: 1, 16, 128>}, {transform_indices = @transform_3, window_bounds = array<i64: 1, 16, 128>}]} {
    %get3A = arith.constant 0 : index
    %get3A_0 = arith.constant 0 : index
    %get3A_1 = arith.constant 0 : index
    %get3A_2 = arith.constant 0 : index
    %get3A_3 = vector.load %arg1[%get3A, %get3A_0, %get3A_1, %get3A_2] : memref<1x4x16x128xf32, #tpu.memory_space<vmem>>, vector<1x1x16x128xf32>
    %get3A_4 = vector.shape_cast %get3A_3 : vector<1x1x16x128xf32> to vector<16x128xf32>
    %get3A_5 = arith.constant 0 : index
    %get3A_6 = arith.constant 1 : index
    %get3A_7 = arith.constant 0 : index
    %get3A_8 = arith.constant 0 : index
    %get3A_9 = vector.load %arg1[%get3A_5, %get3A_6, %get3A_7, %get3A_8] : memref<1x4x16x128xf32, #tpu.memory_space<vmem>>, vector<1x1x16x128xf32>
    %get3A_10 = vector.shape_cast %get3A_9 : vector<1x1x16x128xf32> to vector<16x128xf32>
    %get3A_11 = arith.constant 0 : index
    %get3A_12 = arith.constant 2 : index
    %get3A_13 = arith.constant 0 : index
    %get3A_14 = arith.constant 0 : index
    %get3A_15 = vector.load %arg1[%get3A_11, %get3A_12, %get3A_13, %get3A_14] : memref<1x4x16x128xf32, #tpu.memory_space<vmem>>, vector<1x1x16x128xf32>
    %get3A_16 = vector.shape_cast %get3A_15 : vector<1x1x16x128xf32> to vector<16x128xf32>
    %get3A_17 = arith.constant 0 : index
    %get3A_18 = arith.constant 3 : index
    %get3A_19 = arith.constant 0 : index
    %get3A_20 = arith.constant 0 : index
    %get3A_21 = vector.load %arg1[%get3A_17, %get3A_18, %get3A_19, %get3A_20] : memref<1x4x16x128xf32, #tpu.memory_space<vmem>>, vector<1x1x16x128xf32>
    %get3A_22 = vector.shape_cast %get3A_21 : vector<1x1x16x128xf32> to vector<16x128xf32>
    %sub3A = arith.subf %get3A_16, %get3A_4 : vector<16x128xf32>
    %sub3A_23 = arith.subf %get3A_22, %get3A_10 : vector<16x128xf32>
    %mul3A = arith.mulf %sub3A, %sub3A_23 : vector<16x128xf32>
    %iota3A = tpu.iota {dimensions = array<i32: 0>} : vector<16x128xi32>
    %mul3A_24 = arith.constant 128 : i32
    %mul3A_25 = vector.broadcast %mul3A_24 : i32 to vector<16x128xi32>
    %mul3A_26 = arith.muli %iota3A, %mul3A_25 : vector<16x128xi32>
    %iota3A_27 = tpu.iota {dimensions = array<i32: 1>} : vector<16x128xi32>
    %add3A = arith.addi %mul3A_26, %iota3A_27 : vector<16x128xi32>
    %broadcast_in_dim3A = arith.constant 1.000000e+00 : f32
    %broadcast_in_dim3A_28 = vector.broadcast %broadcast_in_dim3A : f32 to vector<16x128xf32>
    %scan3A = arith.constant 0 : i32
    %scan3A_29 = arith.constant 2000 : i32
    %scan3A_30 = arith.addi %scan3A, %scan3A_29 : i32
    %scan3A_31 = arith.constant 1 : i32
    %scan3A_32 = scf.for %scan3A_49 = %scan3A to %scan3A_30 step %scan3A_31 iter_args(%scan3A_50 = %broadcast_in_dim3A_28) -> (vector<16x128xf32>)  : i32 {
      %get3A_51 = arith.constant 0 : index
      %get3A_52 = arith.index_cast %scan3A_49 : i32 to index
      %get3A_53 = arith.constant 0 : index
      %get3A_54 = vector.load %arg2[%get3A_51, %get3A_52, %get3A_53] : memref<1x2048x4xf32, #tpu.memory_space<vmem>>, vector<1x1x1xf32>
      %get3A_55 = vector.extract %get3A_54[0, 0, 0] : f32 from vector<1x1x1xf32>
      %get3A_56 = arith.constant 0 : index
      %get3A_57 = arith.index_cast %scan3A_49 : i32 to index
      %get3A_58 = arith.constant 1 : index
      %get3A_59 = vector.load %arg2[%get3A_56, %get3A_57, %get3A_58] : memref<1x2048x4xf32, #tpu.memory_space<vmem>>, vector<1x1x1xf32>
      %get3A_60 = vector.extract %get3A_59[0, 0, 0] : f32 from vector<1x1x1xf32>
      %get3A_61 = arith.constant 0 : index
      %get3A_62 = arith.index_cast %scan3A_49 : i32 to index
      %get3A_63 = arith.constant 2 : index
      %get3A_64 = vector.load %arg2[%get3A_61, %get3A_62, %get3A_63] : memref<1x2048x4xf32, #tpu.memory_space<vmem>>, vector<1x1x1xf32>
      %get3A_65 = vector.extract %get3A_64[0, 0, 0] : f32 from vector<1x1x1xf32>
      %get3A_66 = arith.constant 0 : index
      %get3A_67 = arith.index_cast %scan3A_49 : i32 to index
      %get3A_68 = arith.constant 3 : index
      %get3A_69 = vector.load %arg2[%get3A_66, %get3A_67, %get3A_68] : memref<1x2048x4xf32, #tpu.memory_space<vmem>>, vector<1x1x1xf32>
      %get3A_70 = vector.extract %get3A_69[0, 0, 0] : f32 from vector<1x1x1xf32>
      %sub3A_71 = arith.subf %get3A_65, %get3A_55 : f32
      %sub3A_72 = arith.subf %get3A_70, %get3A_60 : f32
      %mul3A_73 = arith.mulf %sub3A_71, %sub3A_72 : f32
      %eq3A = vector.broadcast %scan3A_49 : i32 to vector<16x128xi32>
      %eq3A_74 = arith.cmpi eq, %add3A, %eq3A : vector<16x128xi32>
      %jit3A_75 = arith.constant 0.000000e+00 : f32
      %broadcast_in_dim3A_76 = vector.broadcast %jit3A_75 : f32 to vector<16x128xf32>
      %select_n3A_77 = arith.select %eq3A_74, %scan3A_50, %broadcast_in_dim3A_76 : vector<16x128xi1>, vector<16x128xf32>
      %reduce_max3A = vector.shape_cast %select_n3A_77 : vector<16x128xf32> to vector<1x16x128xf32>
      %reduce_max3A_78 = arith.constant dense<0xFF800000> : vector<1xf32>
      %reduce_max3A_79 = vector.multi_reduction <maximumf>, %reduce_max3A, %reduce_max3A_78 [1, 2] : vector<1x16x128xf32> to vector<1xf32>
      %reduce_max3A_80 = vector.shape_cast %reduce_max3A_79 : vector<1xf32> to vector<1x1x1xf32>
      %reduce_max3A_81 = vector.extract %reduce_max3A_80[0, 0, 0] : f32 from vector<1x1x1xf32>
      %min3A = vector.broadcast %get3A_65 : f32 to vector<16x128xf32>
      %min3A_82 = arith.minimumf %get3A_16, %min3A : vector<16x128xf32>
      %max3A = vector.broadcast %get3A_55 : f32 to vector<16x128xf32>
      %max3A_83 = arith.maximumf %get3A_4, %max3A : vector<16x128xf32>
      %sub3A_84 = arith.subf %min3A_82, %max3A_83 : vector<16x128xf32>
      %max3A_85 = arith.constant 0.000000e+00 : f32
      %max3A_86 = vector.broadcast %max3A_85 : f32 to vector<16x128xf32>
      %max3A_87 = arith.maximumf %sub3A_84, %max3A_86 : vector<16x128xf32>
      %min3A_88 = vector.broadcast %get3A_70 : f32 to vector<16x128xf32>
      %min3A_89 = arith.minimumf %get3A_22, %min3A_88 : vector<16x128xf32>
      %max3A_90 = vector.broadcast %get3A_60 : f32 to vector<16x128xf32>
      %max3A_91 = arith.maximumf %get3A_10, %max3A_90 : vector<16x128xf32>
      %sub3A_92 = arith.subf %min3A_89, %max3A_91 : vector<16x128xf32>
      %max3A_93 = arith.constant 0.000000e+00 : f32
      %max3A_94 = vector.broadcast %max3A_93 : f32 to vector<16x128xf32>
      %max3A_95 = arith.maximumf %sub3A_92, %max3A_94 : vector<16x128xf32>
      %mul3A_96 = arith.mulf %max3A_87, %max3A_95 : vector<16x128xf32>
      %add3A_97 = vector.broadcast %mul3A_73 : f32 to vector<16x128xf32>
      %add3A_98 = arith.addf %add3A_97, %mul3A : vector<16x128xf32>
      %sub3A_99 = arith.subf %add3A_98, %mul3A_96 : vector<16x128xf32>
      %add3A_100 = arith.constant 9.99999971E-10 : f32
      %add3A_101 = vector.broadcast %add3A_100 : f32 to vector<16x128xf32>
      %add3A_102 = arith.addf %sub3A_99, %add3A_101 : vector<16x128xf32>
      %mul3A_103 = arith.constant 0.699999988 : f32
      %mul3A_104 = vector.broadcast %mul3A_103 : f32 to vector<16x128xf32>
      %mul3A_105 = arith.mulf %mul3A_104, %add3A_102 : vector<16x128xf32>
      %gt3A_106 = arith.cmpf ogt, %mul3A_96, %mul3A_105 : vector<16x128xf32>
      %gt3A_107 = vector.broadcast %scan3A_49 : i32 to vector<16x128xi32>
      %gt3A_108 = arith.cmpi sgt, %add3A, %gt3A_107 : vector<16x128xi32>
      %and3A_109 = arith.andi %gt3A_106, %gt3A_108 : vector<16x128xi1>
      %gt3A_110 = arith.constant 0.000000e+00 : f32
      %gt3A_111 = arith.cmpf ogt, %reduce_max3A_81, %gt3A_110 : f32
      %and3A_112 = vector.broadcast %gt3A_111 : i1 to vector<16x128xi1>
      %and3A_113 = arith.andi %and3A_109, %and3A_112 : vector<16x128xi1>
      %jit3A_114 = arith.constant 0.000000e+00 : f32
      %broadcast_in_dim3A_115 = vector.broadcast %jit3A_114 : f32 to vector<16x128xf32>
      %select_n3A_116 = arith.select %and3A_113, %broadcast_in_dim3A_115, %scan3A_50 : vector<16x128xi1>, vector<16x128xf32>
      scf.yield %select_n3A_116 : vector<16x128xf32>
    }
    %scan3A_33 = arith.constant 2000 : i32
    %gt3A = arith.constant 0.000000e+00 : f32
    %gt3A_34 = vector.broadcast %gt3A : f32 to vector<16x128xf32>
    %gt3A_35 = arith.cmpf ogt, %scan3A_32, %gt3A_34 : vector<16x128xf32>
    %lt3A = arith.constant 2000 : i32
    %lt3A_36 = vector.broadcast %lt3A : i32 to vector<16x128xi32>
    %lt3A_37 = arith.cmpi slt, %add3A, %lt3A_36 : vector<16x128xi32>
    %and3A = arith.andi %gt3A_35, %lt3A_37 : vector<16x128xi1>
    %get3A_38 = arith.constant 0 : index
    %get3A_39 = arith.constant 0 : index
    %get3A_40 = arith.constant 0 : index
    %get3A_41 = vector.load %arg3[%get3A_38, %get3A_39, %get3A_40] : memref<1x16x128xf32, #tpu.memory_space<vmem>>, vector<1x16x128xf32>
    %get3A_42 = vector.shape_cast %get3A_41 : vector<1x16x128xf32> to vector<16x128xf32>
    %jit3A = arith.constant -1.000000e+00 : f32
    %broadcast_in_dim3A_43 = vector.broadcast %jit3A : f32 to vector<16x128xf32>
    %select_n3A = arith.select %and3A, %get3A_42, %broadcast_in_dim3A_43 : vector<16x128xi1>, vector<16x128xf32>
    %swap3A = arith.constant 0 : index
    %swap3A_44 = arith.constant 0 : index
    %swap3A_45 = arith.constant 0 : index
    %swap3A_46 = vector.load %arg4[%swap3A, %swap3A_44, %swap3A_45] : memref<1x16x128xf32, #tpu.memory_space<vmem>>, vector<1x16x128xf32>
    %swap3A_47 = vector.shape_cast %swap3A_46 : vector<1x16x128xf32> to vector<16x128xf32>
    %swap3A_48 = vector.shape_cast %select_n3A : vector<16x128xf32> to vector<1x16x128xf32>
    tpu.vector_store %arg4[%swap3A, %swap3A_44, %swap3A_45], %swap3A_48 {strides = array<i32>} : memref<1x16x128xf32, #tpu.memory_space<vmem>>, vector<1x16x128xf32>,
    return
  }
  func.func @transform_0(%arg0: i32) -> (i32, i32, i32, i32) {
    %c0_i32 = arith.constant 0 : i32
    %c0_i32_0 = arith.constant 0 : i32
    %c0_i32_1 = arith.constant 0 : i32
    %c0_i32_2 = arith.constant 0 : i32
    return %arg0, %c0_i32, %c0_i32_0, %c0_i32_1 : i32, i32, i32, i32
  }
  func.func @transform_1(%arg0: i32) -> (i32, i32, i32) {
    %c0_i32 = arith.constant 0 : i32
    %c0_i32_0 = arith.constant 0 : i32
    %c0_i32_1 = arith.constant 0 : i32
    return %arg0, %c0_i32, %c0_i32_0 : i32, i32, i32
  }
  func.func @transform_2(%arg0: i32) -> (i32, i32, i32) {
    %c0_i32 = arith.constant 0 : i32
    %c0_i32_0 = arith.constant 0 : i32
    %c0_i32_1 = arith.constant 0 : i32
    return %arg0, %c0_i32, %c0_i32_0 : i32, i32, i32
  }
  func.func @transform_3(%arg0: i32) -> (i32, i32, i32) {
    %c0_i32 = arith.constant 0 : i32
    %c0_i32_0 = arith.constant 0 : i32
    %c0_i32_1 = arith.constant 0 : i32
    return %arg0, %c0_i32, %c0_i32_0 : i32, i32, i32
  }
}

</mosaic_0001>

<sc_bundles>
// kernel: gather_offload_async_start.1
scs
__scs_entry_jumppad:
0x0: {  	(pc) =	sbr.rel $0x88, $3  }
0x1: {  	(tag) =	ssettag $0x0;
	lr =	simm.s32 $0x1  }
0x2: {  	[smem:$0x3F9A] =	sst lr;
	_ =	strace $0xD0000000  }
0x3: {  	_ = 	snop  }
0x4: {  	_ = 	snop  }
0x5: {  	_ = 	snop  }
0x6: {  	_ = 	snop  }
0x7: {  	_ = 	snop  }
__scs_overlays_trampoline_lowered:
0x8: {  	[smem:$0x3FA9] =	sst s0  }
0x9: {  	[smem:$0x3FAA] =	sst s1  }
0xa: {  	[smem:$0x3FAB] =	sst s2  }
0xb: {  	[smem:$0x3FAC] =	sst s3  }
0xc: {  	[smem:$0x3FAD] =	sst s4  }
0xd: {  	[smem:$0x3FAE] =	sst s5  }
0xe: {  	[smem:$0x3FAF] =	sst s6  }
0xf: {  	[smem:$0x3FB0] =	sst s7  }
0x10: {  	[smem:$0x3FB1] =	sst s8  }
0x11: {  	[smem:$0x3FB2] =	sst s9;
	s0 =	simm.s32 @!p0 $0x0  }
0x12: {  	s1 =	sld [smem:$0x3F98];
	s0 =	simm.s32 @p0 $0x1  }
0x13: {  	[smem:$0x3FB3] =	sst s0;
	s0 =	simm.s32 @!p1 $0x0  }
0x14: {  	s2 =	sld [smem:$0x3F97];
	s0 =	simm.s32 @p1 $0x1  }
0x15: {  	[smem:$0x3FB4] =	sst s0;
	s0 =	simm.s32 @!p2 $0x0  }
0x16: {  	s3 =	sld [smem:$0x3FDB];
	s0 =	simm.s32 @p2 $0x1  }
0x17: {  	s4 =	simm.s32 $0x1BF5;
	[smem:$0x3FB6] =	sst s0  }
0x18: {  	s0 =	sld [smem:$0x3F99];
	_ =	swait.ge [sflag:s4], $0x0  }
0x19: {  	s7 =	sld [smem:$0x3F9A]  }
0x1a: {  	s8 =	sadd.s32 $0xFFFFE003, lr  }
0x1b: {  	s9 =	sadd.s32 $0xFFFFFEF7, lr;
	s5 =	simm.s32 $0xFFFFFFFF;
	p2 =	slt.u32 s8, $0xFFFFF086  }
0x1c: {  	p1 =	slt.u32 s9, $0xF7A;
	s5 =	simm.s32 @!p2 $0x0  }
0x1d: {  	s5 =	simm.s32 @p1 $0x1;
	p0 =	seq.s32 s7, s2  }
0x1e: {  	s7 =	smul.u32 @!p0 $0xF7A, s2;
	p2 =	seq.s32 @!p0 s5, $0x0  }
0x1f: {  	s9 =	smul.u32 $0xF7A, s1;
	s8 =	simm.s32 @!p0 $0x1BF5;
	p2 =	por !p2, p0  }
0x20: {  	[sflag:s8] =	ssyncset.s32 @!p0 $0xFFFFF086;
	s6 =	sadd.s32 @!p0 s3, s7;
	s7 =	simm.s32 @!p0 $0x108  }
0x21: {  	s3 =	sadd.s32 s3, s9;
	s6 =	sadd.s32 @!p0 $0x88, s6;
	s7 =	simm.s32 @p2 $0x1082  }
0x22: {  	[simem:s7], [sflag:s8] =	dma.local @!p0 [hbm:s6], $0xF7A  }
0x23: {  	s9 =	sor.u32 $0xD0000000, s2;
	s6 =	simm.s32 $0x108;
	_ =	swait.ge @!p0 [sflag:s8], $0x0  }
0x24: {  	s3 =	sadd.s32 $0x88, s3;
	s6 =	simm.s32 @!p1 $0x1082;
	[sflag:s4] =	ssyncset.s32 $0xFFFFF086  }
0x25: {  	[simem:s6], [sflag:s4] =	dma.local [hbm:s3], $0xF7A  }
0x26: {  	[smem:$0x3F9A] =	sst s1;
	(tag) =	ssettag s2;
	_ =	strace s9  }
0x27: {  	s1 =	sld [smem:$0x3FAA]  }
0x28: {  	s2 =	sld [smem:$0x3FAB]  }
0x29: {  	s4 =	sld [smem:$0x3FAD]  }
0x2a: {  	p0 =	seq.s32 s5, $0x0;
	s5 =	sld [smem:$0x3FAE]  }
0x2b: {  	s6 =	sld [smem:$0x3FAF]  }
0x2c: {  	s7 =	sld [smem:$0x3FB0]  }
0x2d: {  	s3 =	simm.s32 $0x108;
	s8 =	sld [smem:$0x3FB1]  }
0x2e: {  	s3 =	simm.s32 @!p0 $0x1082;
	s9 =	sld [smem:$0x3FB2]  }
0x2f: {  	lr =	sadd.s32 s0, s3;
	s0 =	sld [smem:$0x3FA9]  }
0x30: {  	s3 =	sld [smem:$0x3FAC]  }
0x31: {  	[smem:$0x3FB5] =	sst s10  }
0x32: {  	s10 =	sld [smem:$0x3FB3];
	_ =	sdelay $0x3  }
0x33: {  	p0 =	seq.s32 s10, $0x1;
	s10 =	sld [smem:$0x3FB5];
	_ =	sdelay $0x3  }
0x34: {  	[smem:$0x3FB5] =	sst s10  }
0x35: {  	s10 =	sld [smem:$0x3FB4];
	_ =	sdelay $0x3  }
0x36: {  	p1 =	seq.s32 s10, $0x1;
	s10 =	sld [smem:$0x3FB5];
	_ =	sdelay $0x3  }
0x37: {  	[smem:$0x3FB5] =	sst s10  }
0x38: {  	s10 =	sld [smem:$0x3FB6]  }
0x39: {  	_ = 	snop;
	(pc) =	sbr.ind lr, $3  }
0x3a: {  	_ = 	snop  }
0x3b: {  	_ = 	snop  }
0x3c: {  	p2 =	seq.s32 s10, $0x1;
	s10 =	sld [smem:$0x3FB5]  }
0x3d: {  	_ =	shalt  }
0x3e: {  	_ =	shalt  }
0x3f: {  	_ =	shalt  }
0x40: {  	_ =	shalt  }
0x41: {  	_ =	shalt  }
0x42: {  	_ =	shalt  }
0x43: {  	_ =	shalt  }
0x44: {  	_ =	shalt  }
0x45: {  	_ =	shalt  }
0x46: {  	_ =	shalt  }
0x47: {  	_ =	shalt  }
0x48: {  	_ =	shalt  }
0x49: {  	_ =	shalt  }
0x4a: {  	_ =	shalt  }
0x4b: {  	_ =	shalt  }
0x4c: {  	_ =	shalt  }
0x4d: {  	_ =	shalt  }
0x4e: {  	_ =	shalt  }
0x4f: {  	_ =	shalt  }
0x50: {  	_ =	shalt  }
0x51: {  	_ =	shalt  }
0x52: {  	_ =	shalt  }
0x53: {  	_ =	shalt  }
0x54: {  	_ =	shalt  }
0x55: {  	_ =	shalt  }
0x56: {  	_ =	shalt  }
0x57: {  	_ =	shalt  }
0x58: {  	_ =	shalt  }
0x59: {  	_ =	shalt  }
0x5a: {  	_ =	shalt  }
0x5b: {  	_ =	shalt  }
0x5c: {  	_ =	shalt  }
0x5d: {  	_ =	shalt  }
0x5e: {  	_ =	shalt  }
0x5f: {  	_ =	shalt  }
0x60: {  	_ =	shalt  }
0x61: {  	_ =	shalt  }
0x62: {  	_ =	shalt  }
0x63: {  	_ =	shalt  }
0x64: {  	_ =	shalt  }
0x65: {  	_ =	shalt  }
0x66: {  	_ =	shalt  }
0x67: {  	_ =	shalt  }
0x68: {  	_ =	shalt  }
0x69: {  	_ =	shalt  }
0x6a: {  	_ =	shalt  }
0x6b: {  	_ =	shalt  }
0x6c: {  	_ =	shalt  }
0x6d: {  	_ =	shalt  }
0x6e: {  	_ =	shalt  }
0x6f: {  	_ =	shalt  }
0x70: {  	_ =	shalt  }
0x71: {  	_ =	shalt  }
0x72: {  	_ =	shalt  }
0x73: {  	_ =	shalt  }
0x74: {  	_ =	shalt  }
0x75: {  	_ =	shalt  }
0x76: {  	_ =	shalt  }
0x77: {  	_ =	shalt  }
0x78: {  	_ =	shalt  }
0x79: {  	_ =	shalt  }
0x7a: {  	_ =	shalt  }
0x7b: {  	_ =	shalt  }
0x7c: {  	_ =	shalt  }
0x7d: {  	_ =	shalt  }
0x7e: {  	_ =	shalt  }
0x7f: {  	_ =	shalt  }
0x80: {  	_ =	shalt  }
0x81: {  	_ =	shalt  }
0x82: {  	_ =	shalt  }
0x83: {  	_ =	shalt  }
0x84: {  	_ =	shalt  }
0x85: {  	_ =	shalt  }
0x86: {  	_ =	shalt  }
0x87: {  	_ =	shalt  }
.Lfunc_end0:
.L_simem_size_0:
called_computation.2_lowered:
.L_overlay_start_0:
0x88: {  	s2 =	sld [smem:$0x3FD9]  }
0x89: {  	s3 =	sld [smem:$0x3FFE];
	_ =	sdelay $0x1  }
0x8a: {  	s1 =	srdreg.scid  }
0x8b: {  	s0 =	sand.u32 $0x1, s1  }
0x8c: {  	s17 =	sshll.u32 s0, $0xA;
	s2 =	sadd.s32 s3, s2  }
0x8d: {  	s2 =	sadd.s32 s2, s17  }
0x8e: {  	[smem:$0x3FC1] =	sst s2  }
0x8f: {  	_ = 	snop  }
0x90: {  	s2 =	sld [smem:$0x3FD0];
	(tm) =	ssettm $0x1  }
0x91: {  	s18 =	sld [smem:$0x3FFB];
	_ =	sdelay $0x3  }
0x92: {  	_ =	strace s18  }
0x93: {  	s3 =	sld [smem:$0x3FFC];
	_ =	sdelay $0x3  }
0x94: {  	_ =	strace s3  }
0x95: {  	s3 =	sld [smem:$0x3FFD];
	_ =	sdelay $0x3  }
0x96: {  	_ =	strace s3  }
0x97: {  	_ =	strace $0x8FFFFFFF  }
0x98: {  	s19 =	sld [smem:$0x3FDB];
	_ =	sdelay $0x1  }
0x99: {  	s4 =	simm.s32 $_scs_section_size  }
0x9a: {  	s5 =	simm.s32 $_size__tile_overlayer_lowered;
	s6 =	simm.s32 $_tile_overlayer_lowered  }
0x9b: {  	s22 =	simm.s32 $0x1BFF;
	s21 =	sshll.u32 s6, $0x1;
	s3 =	sadd.s32 s4, s19  }
0x9c: {  	s7 =	simm.s32 $0x0;
	s20 =	sshll.u32 s5, $0x1;
	s5 =	sadd.s32 s21, s3  }
0x9d: {  	[timem:s7], [sflag:s22] =	dma.local [hbm:s5], s20  }
0x9e: {  	_ =	swait.ge [sflag:s22], s20  }
0x9f: {  	s4 =	ssub.s32 $0x0, s20;
	[sflag:s22] =	ssyncset.done $0x0  }
0xa0: {  	[sflag:s22] =	ssyncadd.s32 s4;
	_ =	sdelay $0x1  }
0xa1: {  	s23 =	simm.s32 $0x1B8B  }
0xa2: {  	_ =	swait.ge [sflag:s23], $0x1  }
0xa3: {  	[sflag:s23] =	ssyncset.done $0x0  }
0xa4: {  	s25 =	simm.s32 $0x1B8E;
	s24 =	sld [smem:$0x3FFE];
	[sflag:s23] =	ssyncadd.s32 $0xFFFFFFFF  }
0xa5: {  	s26 =	simm.s32 $execute0_lowered;
	[smem:$0x3FD2] =	sst s25  }
0xa6: {  	s5 =	sshll.u32 s26, $0x1;
	_ =	strace $0x8000004C;
	[dreg:$0x1] =	wrdreg $0xFFFFFFFF  }
0xa7: {  	s28 =	simm.s32 $_size_execute0_lowered;
	s3 =	sadd.s32 s3, s5;
	[dreg:$0x0] =	wrdreg $0x0  }
0xa8: {  	s5 =	sshll.u32 s28, $0x1;
	[dreg:$0x2] =	wrdreg s3  }
0xa9: {  	[dreg:$0x3] =	wrdreg s5  }
0xaa: {  	[dreg:$0x4] =	wrdreg $0xC0  }
0xab: {  	_ =	task [dreg:s7], $0x5FFFF  }
0xac: {  	[dreg:$0x1] =	wrdreg $0xFFFFFFFF  }
0xad: {  	[dreg:$0x0] =	wrdreg $0x60  }
0xae: {  	[dreg:$0x2] =	wrdreg s24  }
0xaf: {  	[dreg:$0x3] =	wrdreg s2  }
0xb0: {  	[dreg:$0x4] =	wrdreg $0x9  }
0xb1: {  	_ =	task.clear_ibuf [dreg:s7], $0x5FFFF;
	_ =	strace $0x9000004C  }
0xb2: {  	s29 =	simm.s32 $0x9;
	_ =	strace $0x8000004E  }
0xb3: {  	_ =	swait.ge [sflag:s29], $0x1  }
0xb4: {  	[sflag:s29] =	ssyncadd.s32 $0xFFFFFFFF  }
0xb5: {  	_ =	strace $0x9000004E  }
0xb6: {  	_ =	sfence  }
0xb7: {  	s30 =	sld [smem:$0x0];
	_ =	sdelay $0x2  }
0xb8: {  	s31 =	sshll.u32 s1, $0xD;
	s1 =	sshrl.u32 s1, $0x2  }
0xb9: {  	s3 =	sand.u32 $0x4000, s31;
	s1 =	sadd.s32 s1, s30  }
0xba: {  	s0 =	sor.u32 s3, s0;
	s1 =	sshll.u32 s1, $0x11  }
0xbb: {  	s0 =	sor.u32 s1, s0  }
0xbc: {  	s0 =	sadd.s32 $0x8F2B, s0  }
0xbd: {  	[sflag:s0] =	ssyncadd.remote.s32 $0x1  }
0xbe: {  	_ =	sfence.sel $0xFFFF  }
0xbf: {  	[dreg:$0x0] =	wrdreg $0xFFFFFFFF;
	(pc) =	sbr.abs _section_cstart, $3  }
0xc0: {  	[dreg:$0x1] =	wrdreg $0xFFFFFFFF  }
0xc1: {  	_ =	task.clear_ibuf [dreg:s7], $0x2FFFF;
	_ =	strace $0x9FFFFFFF  }
0xc2: {  	(tm) =	ssettm $0x7FFFFFFF  }
0xc3: {  	_ =	shalt  }
tec
execute0_lowered:
.L_overlay_start_1:
0x0: {  	(tag) =	ssettag $0x1  }
0x1: {  	s0 =	srdreg.scid  }
0x2: {  	s1 =	sshll.u32 s0, $0x4  }
0x3: {  	s0 =	stileid.u32;
	s1 =	sand.u32 $0x10, s1  }
0x4: {  	s2 =	sor.u32 s0, s1  }
0x5: {  	s1 =	smin.u32 s2, $0x12  }
0x6: {  	s1 =	sadd.s32 s2, s1  }
0x7: {  	p0 =	slt.u32 s2, $0x12;
	s2 =	simm.s32 $0xA0;
	s1 =	smul.u32 $0x50, s1  }
0x8: {  	s2 =	simm.s32 @!p0 $0x50  }
0x9: {  	s2 =	sadd.s32 s2, s1  }
0xa: {  	s3 =	smin.u32 s2, $0xFA0  }
0xb: {  	s7 =	ssub.s32 s3, s1  }
0xc: {  	p0 =	sgt.s32 s7, $0x0  }
0xd: {  	s7 =	simm.s32 @!p0 $0x0  }
0xe: {  	s4 =	rddreg [dreg:$0x0];
	s31 =	smul.u32 $0xCCCD, s7  }
0xf: {  	s5 =	rddreg [dreg:$0x1]  }
0x10: {  	s6 =	simm.s32 $0x1;
	s10 =	simm.s32 $0x3;
	s8 =	sshrl.u32 s31, $0x16  }
0x11: {  	s13 =	simm.s32 $0x0;
	s12 =	simm.s32 $0x0;
	s9 =	smul.u32 $0x50, s8  }
.Ltmp0:
0x12: {  	s11 =	smov.u32 s1;
	s2 =	rddreg [dreg:$0x2];
	(pc) =	sbr.rel .LBB2_1-.Ltmp0, $4  }
0x13: {  	_ =	strace $0x8000004D;
	p0 =	sne.s32 s7, s9;
	s9 =	simm.s32 $0x1  }
0x14: {  	[sflag:s6] =	ssyncpa.u1 $0x0;
	s7 =	simm.s32 $0x2;
	s9 =	simm.s32 @!p0 $0x0  }
0x15: {  	[sflag:s7] =	ssyncpa.u1 $0x0;
	p0 =	por $0x0, $0x0;
	s8 =	sadd.s32 s8, s9  }
0x16: {  	vm0 =	vmmov $0xff;
	vm1 =	vcmask $0x3F20;
	s9 =	sadd.s32 $0x20000, s4;
	[sflag:s10] =	ssyncpa.u1 $0x0;
	s10 =	sadd.s32 $0x1, s8  }
.LBB2_6:
0x17: {  	[hbm:s17] =	stream.linear.scatter [tilespmem:s14], [sflag:$0x3], $0x400, $0x38;
	[tilespmem:$0x50A0] =	vst v63  }
.LBB2_7:
0x18: {  	s13 =	sadd.s32 $0x50, s11  }
0x19: {  	s15 =	smov.u32 s1;
	p2 =	slt.s32 s13, s3  }
0x1a: {  	s15 =	smov.u32 @p2 s13;
	p2 =	sne.s32 s12, s10  }
.Ltmp1:
0x1b: {  	p1 =	slt.u32 s12, $0x2;
	(pc) =	sbr.rel @!p2 .LBB2_8-.Ltmp1, $4  }
0x1c: {  	s14 =	simm.s32 @!p1 $0x3  }
0x1d: {  	s16 =	sadd.s32 $0x1, s12;
	_ =	swait.ge @!p1 [sflag:s14], $0x2800  }
0x1e: {  	p0 =	por !p0, !p0;
	s13 =	smov.u32 s11;
	[sflag:s14] =	ssyncset.done @!p1 $0x0  }
0x1f: {  	s12 =	smov.u32 s16;
	s11 =	smov.u32 s15;
	[sflag:s14] =	ssyncadd.s32 @!p1 $0xFFFFD800  }
.LBB2_1:
0x20: {  	p1 =	sge.u32 s12, s8  }
0x21: {  	s14 =	sxor.u32 @!p1 $0xFFFFFFFF, s12  }
0x22: {  	s14 =	sand.u32 @!p1 $0x1, s14  }
0x23: {  	s14 =	smul.u32 @!p1 $0x140, s14  }
0x24: {  	s31 =	sadd.s32 $0xFFFFFFFF, s12;
	s15 =	sshrl.u32 @!p1 s11, $0x3  }
0x25: {  	s16 =	sand.u32 @!p1 $0x7, s11;
	s15 =	sadd.s32 @!p1 s5, s15;
	s14 =	sshrl.u32 @!p1 s14, $0x2  }
0x26: {  	[tilespmem:s14], [sflag:$0x2] =	stream.linear.gather @!p1 [hbm4b:s15+s16], $0x50, $0x38;
	[tilespmem:$0x50A0] =	vst v63  }
0x27: {  	p1 =	sge.u32 s31, s8  }
.Ltmp2:
0x28: {  	_ = 	snop;
	(pc) =	sbr.rel @p1 .LBB2_7-.Ltmp2, $1  }
0x29: {  	_ =	sdelay $0x3  }
0x2a: {  	s14 =	simm.s32 $0x1  }
0x2b: {  	s14 =	simm.s32 @!p0 $0x0  }
0x2c: {  	s15 =	smul.u32 $0x140, s14  }
0x2d: {  	_ =	swait.ge [sflag:s7], $0x50  }
0x2e: {  	[sflag:s7] =	ssyncset.done $0x0;
	s16 =	sshrl.u32 s15, $0x2  }
0x2f: {  	[sflag:s7] =	ssyncadd.s32 $0xFFFFFFB0;
	s15 =	sadd.s32 $0x0, s16  }
0x30: {  	v0 =	vld.msk [tilespmem:s15+$0x0 ss:$0x1], $0xffff;
	_ =	sdelay $0x4  }
0x31: {  	v1 =	vshll.u32 v0, $0x5  }
0x32: {  	vm2 =	veq.s32 v0, $0x80000000;
	v0 =	vshll.u32 v0, $0x12;
	v1 =	vand.u32 $0x3FF80, v1  }
0x33: {  	v0 =	vand.u32 $0xC0000, v0;
	v1 =	vsel vm2, $0xFFFFFF80, v1  }
0x34: {  	v0 =	vsel vm2, $0xFFFC0000, v0;
	v2 =	vand.u32 $0xFFFFFC00, v1  }
0x35: {  	v1 =	vand.u32 $0x380, v1;
	v0 =	vadd.s32 v0, v2  }
0x36: {  	v0 =	vor.u32 v1, v0  }
0x37: {  	v0 =	vshrl.u32 v0, $0x3  }
0x38: {  	s14 =	smul.u32 $0xA000, s14;
	_ =	sdelay $0x1  }
0x39: {  	s14 =	sshrl.u32 s14, $0x2  }
0x3a: {  	s14 =	sor.u32 $0xA0, s14  }
0x3b: {  	[tilespmem:s14], [sflag:$0x1] =	stream.indirect_vreg.gather [hbm:s4], $0x80, v0, vm0, $0x38;
	[tilespmem:$0x50A0] =	vst v63  }
0x3c: {  	s17 =	sadd.s32 $0x10, s16;
	s15 =	sadd.s32 $0x400, s14  }
0x3d: {  	[tilespmem:s15], [sflag:$0x1] =	stream.indirect_vreg.gather [hbm:s4], $0x80, v0, vm1, $0x38;
	[tilespmem:$0x50A0] =	vst v63  }
0x3e: {  	s18 =	simm.s32 $0x80;
	v0 =	vld.msk [tilespmem:s17+$0x0 ss:$0x1], $0xffff;
	s17 =	smov.u32 s14  }
.LBB2_3:
0x3f: {  	p1 =	sne.s32 s18, $0x100;
	_ =	sdelay $0x4  }
0x40: {  	v1 =	vshll.u32 v0, $0x5  }
0x41: {  	vm2 =	veq.s32 v0, $0x80000000;
	v0 =	vshll.u32 v0, $0x12;
	v1 =	vand.u32 $0x3FF80, v1  }
0x42: {  	v0 =	vand.u32 $0xC0000, v0;
	v1 =	vsel vm2, $0xFFFFFF80, v1  }
0x43: {  	v0 =	vsel vm2, $0xFFFC0000, v0;
	v2 =	vand.u32 $0xFFFFFC00, v1  }
0x44: {  	v1 =	vand.u32 $0x380, v1;
	v0 =	vadd.s32 v0, v2  }
0x45: {  	v0 =	vor.u32 v1, v0  }
0x46: {  	v0 =	vshrl.u32 v0, $0x3;
	_ =	sdelay $0x3  }
.Ltmp3:
0x47: {  	s19 =	sshra.s32 s18, $0x2;
	s17 =	sadd.s32 $0x800, s17;
	(pc) =	sbr.rel @p1 .LBB2_3-.Ltmp3, $4  }
0x48: {  	[tilespmem:s17], [sflag:$0x1] =	stream.indirect_vreg.gather [hbm:s4], $0x80, v0, vm0, $0x38;
	[tilespmem:$0x50A0] =	vst v63  }
0x49: {  	s19 =	sadd.s32 s19, s16;
	s20 =	sadd.s32 $0x400, s17  }
0x4a: {  	[tilespmem:s20], [sflag:$0x1] =	stream.indirect_vreg.gather [hbm:s4], $0x80, v0, vm1, $0x38;
	[tilespmem:$0x50A0] =	vst v63  }
0x4b: {  	s18 =	sadd.s32 $0x40, s18;
	v0 =	vld.msk [tilespmem:s19+$0x0 ss:$0x1], $0xffff  }
0x4c: {  	_ =	sdelay $0x3  }
0x4d: {  	v1 =	vshll.u32 v0, $0x5  }
0x4e: {  	vm2 =	veq.s32 v0, $0x80000000;
	v63 =	vshll.u32 v0, $0x12;
	v1 =	vand.u32 $0x3FF80, v1  }
0x4f: {  	v0 =	vand.u32 $0xC0000, v63;
	v1 =	vsel vm2, $0xFFFFFF80, v1  }
0x50: {  	v0 =	vsel vm2, $0xFFFC0000, v0;
	v2 =	vand.u32 $0xFFFFFC00, v1  }
0x51: {  	v1 =	vand.u32 $0x380, v1;
	v0 =	vadd.s32 v0, v2  }
0x52: {  	v0 =	vor.u32 v1, v0  }
0x53: {  	v0 =	vshrl.u32 v0, $0x3;
	_ =	sdelay $0x3  }
0x54: {  	s16 =	sadd.s32 $0x800, s17  }
0x55: {  	[tilespmem:s16], [sflag:$0x1] =	stream.indirect_vreg.gather [hbm:s4], $0x80, v0, vm0, $0x38;
	[tilespmem:$0x50A0] =	vst v63  }
0x56: {  	s16 =	sadd.s32 $0x400, s16  }
0x57: {  	[tilespmem:s16], [sflag:$0x1] =	stream.indirect_vreg.gather [hbm:s4], $0x80, v0, vm1, $0x38;
	[tilespmem:$0x50A0] =	vst v63  }
0x58: {  	s13 =	sshll.u32 s13, $0x4;
	_ =	swait.ge [sflag:s6], $0x2800  }
0x59: {  	s13 =	sadd.s32 s13, s9;
	[sflag:s6] =	ssyncset.done $0x0  }
0x5a: {  	s17 =	sadd.s32 $0x0, s13;
	s16 =	simm.s32 $0x80;
	[sflag:s6] =	ssyncadd.s32 $0xFFFFD800  }
.LBB2_5:
0x5b: {  	[hbm:s17] =	stream.linear.scatter [tilespmem:s14], [sflag:$0x3], $0x400, $0x38;
	[tilespmem:$0x50A0] =	vst v63  }
0x5c: {  	s17 =	smov.u32 s16;
	s14 =	smov.u32 s15;
	p1 =	sne.s32 s16, $0x480  }
.Ltmp4:
0x5d: {  	s16 =	sadd.s32 $0x80, s16;
	(pc) =	sbr.rel @p1 .LBB2_5-.Ltmp4, $2  }
0x5e: {  	_ =	sdelay $0x2  }
0x5f: {  	s15 =	sadd.s32 $0x400, s15;
	s17 =	sadd.s32 s17, s13  }
.Ltmp5:
0x60: {  	_ = 	snop;
	(pc) =	sbr.rel .LBB2_6-.Ltmp5, $1  }
0x61: {  	_ =	sdelay $0x3  }
.LBB2_8:
0x62: {  	_ =	sfence.sel $0x180000  }
0x63: {  	s1 =	simm.s32 $0x2;
	[bflag:$0x0] =	sbarrier.arrive $0xFFFF  }
0x64: {  	s30 =	simm.s32 $0x3;
	[sflag:s1] =	ssyncpa.u1 $0x1  }
0x65: {  	s31 =	simm.s32 $0x1;
	[sflag:s30] =	ssyncpa.u1 $0x1  }
0x66: {  	[sflag:s31] =	ssyncpa.u1 $0x1  }
0x67: {  	p0 =	sne.s32 s0, $0x0;
	_ =	strace $0x9000004D  }
0x68: {  	s0 =	sadd.s32 @!p0 $0x100000, s2;
	[bflag:$0x2] =	sbarrier.arrive $0xFFFF  }
0x69: {  	[sflag:s0] =	ssyncadd.tile.s32 @!p0 $0x1;
	_ =	shalt  }
.Lfunc_end2:
_tile_overlayer_lowered:
.L_overlay_start_2:
0x6a: {  	(tag) =	ssettag $0x2  }
0x6b: {  	s0 =	rddreg [dreg:$0x0];
	s2 =	stileid.u32  }
0x6c: {  	s1 =	rddreg [dreg:$0x1];
	p0 =	sne.s32 s2, $0x0  }
0x6d: {  	s3 =	rddreg [dreg:$0x2];
	[bflag:$0x3] =	sbarrier.arrive $0xFFFF;
	s2 =	simm.s32 @!p0 $0x1C01  }
0x6e: {  	[timem:s3], [sflag:s2] =	dma.local @!p0 [hbm:s0], s1  }
0x6f: {  	s0 =	simm.s32 @!p0 $0x1  }
0x70: {  	_ =	swait.ge @!p0 [sflag:s0], s1  }
0x71: {  	s1 =	ssub.s32 @!p0 $0x0, s1;
	[sflag:s0] =	ssyncset.done @!p0 $0x0  }
0x72: {  	[sflag:s0] =	ssyncadd.s32 @!p0 s1  }
0x73: {  	[bflag:$0x3] =	sbarrier.arrive $0xFFFF  }
0x74: {  	_ =	shalt  }

// kernel: gather_offload_async_start
scs
__scs_entry_jumppad:
0x0: {  	(pc) =	sbr.rel $0x88, $3  }
0x1: {  	(tag) =	ssettag $0x0;
	lr =	simm.s32 $0x1  }
0x2: {  	[smem:$0x3F9A] =	sst lr;
	_ =	strace $0xD0000000  }
0x3: {  	_ = 	snop  }
0x4: {  	_ = 	snop  }
0x5: {  	_ = 	snop  }
0x6: {  	_ = 	snop  }
0x7: {  	_ = 	snop  }
__scs_overlays_trampoline_lowered:
0x8: {  	[smem:$0x3FA9] =	sst s0  }
0x9: {  	[smem:$0x3FAA] =	sst s1  }
0xa: {  	[smem:$0x3FAB] =	sst s2  }
0xb: {  	[smem:$0x3FAC] =	sst s3  }
0xc: {  	[smem:$0x3FAD] =	sst s4  }
0xd: {  	[smem:$0x3FAE] =	sst s5  }
0xe: {  	[smem:$0x3FAF] =	sst s6  }
0xf: {  	[smem:$0x3FB0] =	sst s7  }
0x10: {  	[smem:$0x3FB1] =	sst s8  }
0x11: {  	[smem:$0x3FB2] =	sst s9;
	s0 =	simm.s32 @!p0 $0x0  }
0x12: {  	s1 =	sld [smem:$0x3F98];
	s0 =	simm.s32 @p0 $0x1  }
0x13: {  	[smem:$0x3FB3] =	sst s0;
	s0 =	simm.s32 @!p1 $0x0  }
0x14: {  	s2 =	sld [smem:$0x3F97];
	s0 =	simm.s32 @p1 $0x1  }
0x15: {  	[smem:$0x3FB4] =	sst s0;
	s0 =	simm.s32 @!p2 $0x0  }
0x16: {  	s3 =	sld [smem:$0x3FDB];
	s0 =	simm.s32 @p2 $0x1  }
0x17: {  	s4 =	simm.s32 $0x1BF5;
	[smem:$0x3FB6] =	sst s0  }
0x18: {  	s0 =	sld [smem:$0x3F99];
	_ =	swait.ge [sflag:s4], $0x0  }
0x19: {  	s7 =	sld [smem:$0x3F9A]  }
0x1a: {  	s8 =	sadd.s32 $0xFFFFE003, lr  }
0x1b: {  	s9 =	sadd.s32 $0xFFFFFEF7, lr;
	s5 =	simm.s32 $0xFFFFFFFF;
	p2 =	slt.u32 s8, $0xFFFFF086  }
0x1c: {  	p1 =	slt.u32 s9, $0xF7A;
	s5 =	simm.s32 @!p2 $0x0  }
0x1d: {  	s5 =	simm.s32 @p1 $0x1;
	p0 =	seq.s32 s7, s2  }
0x1e: {  	s7 =	smul.u32 @!p0 $0xF7A, s2;
	p2 =	seq.s32 @!p0 s5, $0x0  }
0x1f: {  	s9 =	smul.u32 $0xF7A, s1;
	s8 =	simm.s32 @!p0 $0x1BF5;
	p2 =	por !p2, p0  }
0x20: {  	[sflag:s8] =	ssyncset.s32 @!p0 $0xFFFFF086;
	s6 =	sadd.s32 @!p0 s3, s7;
	s7 =	simm.s32 @!p0 $0x108  }
0x21: {  	s3 =	sadd.s32 s3, s9;
	s6 =	sadd.s32 @!p0 $0x88, s6;
	s7 =	simm.s32 @p2 $0x1082  }
0x22: {  	[simem:s7], [sflag:s8] =	dma.local @!p0 [hbm:s6], $0xF7A  }
0x23: {  	s9 =	sor.u32 $0xD0000000, s2;
	s6 =	simm.s32 $0x108;
	_ =	swait.ge @!p0 [sflag:s8], $0x0  }
0x24: {  	s3 =	sadd.s32 $0x88, s3;
	s6 =	simm.s32 @!p1 $0x1082;
	[sflag:s4] =	ssyncset.s32 $0xFFFFF086  }
0x25: {  	[simem:s6], [sflag:s4] =	dma.local [hbm:s3], $0xF7A  }
0x26: {  	[smem:$0x3F9A] =	sst s1;
	(tag) =	ssettag s2;
	_ =	strace s9  }
0x27: {  	s1 =	sld [smem:$0x3FAA]  }
0x28: {  	s2 =	sld [smem:$0x3FAB]  }
0x29: {  	s4 =	sld [smem:$0x3FAD]  }
0x2a: {  	p0 =	seq.s32 s5, $0x0;
	s5 =	sld [smem:$0x3FAE]  }
0x2b: {  	s6 =	sld [smem:$0x3FAF]  }
0x2c: {  	s7 =	sld [smem:$0x3FB0]  }
0x2d: {  	s3 =	simm.s32 $0x108;
	s8 =	sld [smem:$0x3FB1]  }
0x2e: {  	s3 =	simm.s32 @!p0 $0x1082;
	s9 =	sld [smem:$0x3FB2]  }
0x2f: {  	lr =	sadd.s32 s0, s3;
	s0 =	sld [smem:$0x3FA9]  }
0x30: {  	s3 =	sld [smem:$0x3FAC]  }
0x31: {  	[smem:$0x3FB5] =	sst s10  }
0x32: {  	s10 =	sld [smem:$0x3FB3];
	_ =	sdelay $0x3  }
0x33: {  	p0 =	seq.s32 s10, $0x1;
	s10 =	sld [smem:$0x3FB5];
	_ =	sdelay $0x3  }
0x34: {  	[smem:$0x3FB5] =	sst s10  }
0x35: {  	s10 =	sld [smem:$0x3FB4];
	_ =	sdelay $0x3  }
0x36: {  	p1 =	seq.s32 s10, $0x1;
	s10 =	sld [smem:$0x3FB5];
	_ =	sdelay $0x3  }
0x37: {  	[smem:$0x3FB5] =	sst s10  }
0x38: {  	s10 =	sld [smem:$0x3FB6]  }
0x39: {  	_ = 	snop;
	(pc) =	sbr.ind lr, $3  }
0x3a: {  	_ = 	snop  }
0x3b: {  	_ = 	snop  }
0x3c: {  	p2 =	seq.s32 s10, $0x1;
	s10 =	sld [smem:$0x3FB5]  }
0x3d: {  	_ =	shalt  }
0x3e: {  	_ =	shalt  }
0x3f: {  	_ =	shalt  }
0x40: {  	_ =	shalt  }
0x41: {  	_ =	shalt  }
0x42: {  	_ =	shalt  }
0x43: {  	_ =	shalt  }
0x44: {  	_ =	shalt  }
0x45: {  	_ =	shalt  }
0x46: {  	_ =	shalt  }
0x47: {  	_ =	shalt  }
0x48: {  	_ =	shalt  }
0x49: {  	_ =	shalt  }
0x4a: {  	_ =	shalt  }
0x4b: {  	_ =	shalt  }
0x4c: {  	_ =	shalt  }
0x4d: {  	_ =	shalt  }
0x4e: {  	_ =	shalt  }
0x4f: {  	_ =	shalt  }
0x50: {  	_ =	shalt  }
0x51: {  	_ =	shalt  }
0x52: {  	_ =	shalt  }
0x53: {  	_ =	shalt  }
0x54: {  	_ =	shalt  }
0x55: {  	_ =	shalt  }
0x56: {  	_ =	shalt  }
0x57: {  	_ =	shalt  }
0x58: {  	_ =	shalt  }
0x59: {  	_ =	shalt  }
0x5a: {  	_ =	shalt  }
0x5b: {  	_ =	shalt  }
0x5c: {  	_ =	shalt  }
0x5d: {  	_ =	shalt  }
0x5e: {  	_ =	shalt  }
0x5f: {  	_ =	shalt  }
0x60: {  	_ =	shalt  }
0x61: {  	_ =	shalt  }
0x62: {  	_ =	shalt  }
0x63: {  	_ =	shalt  }
0x64: {  	_ =	shalt  }
0x65: {  	_ =	shalt  }
0x66: {  	_ =	shalt  }
0x67: {  	_ =	shalt  }
0x68: {  	_ =	shalt  }
0x69: {  	_ =	shalt  }
0x6a: {  	_ =	shalt  }
0x6b: {  	_ =	shalt  }
0x6c: {  	_ =	shalt  }
0x6d: {  	_ =	shalt  }
0x6e: {  	_ =	shalt  }
0x6f: {  	_ =	shalt  }
0x70: {  	_ =	shalt  }
0x71: {  	_ =	shalt  }
0x72: {  	_ =	shalt  }
0x73: {  	_ =	shalt  }
0x74: {  	_ =	shalt  }
0x75: {  	_ =	shalt  }
0x76: {  	_ =	shalt  }
0x77: {  	_ =	shalt  }
0x78: {  	_ =	shalt  }
0x79: {  	_ =	shalt  }
0x7a: {  	_ =	shalt  }
0x7b: {  	_ =	shalt  }
0x7c: {  	_ =	shalt  }
0x7d: {  	_ =	shalt  }
0x7e: {  	_ =	shalt  }
0x7f: {  	_ =	shalt  }
0x80: {  	_ =	shalt  }
0x81: {  	_ =	shalt  }
0x82: {  	_ =	shalt  }
0x83: {  	_ =	shalt  }
0x84: {  	_ =	shalt  }
0x85: {  	_ =	shalt  }
0x86: {  	_ =	shalt  }
0x87: {  	_ =	shalt  }
.Lfunc_end0:
.L_simem_size_0:
called_computation.1_lowered:
.L_overlay_start_0:
0x88: {  	s2 =	sld [smem:$0x3FD9]  }
0x89: {  	s3 =	sld [smem:$0x3FFE];
	_ =	sdelay $0x1  }
0x8a: {  	s1 =	srdreg.scid  }
0x8b: {  	s0 =	sand.u32 $0x1, s1  }
0x8c: {  	s17 =	sshll.u32 s0, $0xA;
	s2 =	sadd.s32 s3, s2  }
0x8d: {  	s2 =	sadd.s32 s2, s17  }
0x8e: {  	[smem:$0x3FC1] =	sst s2  }
0x8f: {  	_ = 	snop  }
0x90: {  	s2 =	sld [smem:$0x3FD0];
	(tm) =	ssettm $0x1  }
0x91: {  	s18 =	sld [smem:$0x3FFB];
	_ =	sdelay $0x3  }
0x92: {  	_ =	strace s18  }
0x93: {  	s3 =	sld [smem:$0x3FFC];
	_ =	sdelay $0x3  }
0x94: {  	_ =	strace s3  }
0x95: {  	s3 =	sld [smem:$0x3FFD];
	_ =	sdelay $0x3  }
0x96: {  	_ =	strace s3  }
0x97: {  	_ =	strace $0x8FFFFFFF  }
0x98: {  	s19 =	sld [smem:$0x3FDB];
	_ =	sdelay $0x1  }
0x99: {  	s4 =	simm.s32 $_scs_section_size  }
0x9a: {  	s5 =	simm.s32 $_size__tile_overlayer_lowered;
	s6 =	simm.s32 $_tile_overlayer_lowered  }
0x9b: {  	s22 =	simm.s32 $0x1BFF;
	s21 =	sshll.u32 s6, $0x1;
	s3 =	sadd.s32 s4, s19  }
0x9c: {  	s7 =	simm.s32 $0x0;
	s20 =	sshll.u32 s5, $0x1;
	s5 =	sadd.s32 s21, s3  }
0x9d: {  	[timem:s7], [sflag:s22] =	dma.local [hbm:s5], s20  }
0x9e: {  	_ =	swait.ge [sflag:s22], s20  }
0x9f: {  	s4 =	ssub.s32 $0x0, s20;
	[sflag:s22] =	ssyncset.done $0x0  }
0xa0: {  	[sflag:s22] =	ssyncadd.s32 s4;
	_ =	sdelay $0x1  }
0xa1: {  	s23 =	simm.s32 $0x1B8B  }
0xa2: {  	_ =	swait.ge [sflag:s23], $0x1  }
0xa3: {  	[sflag:s23] =	ssyncset.done $0x0  }
0xa4: {  	s25 =	simm.s32 $0x1B8E;
	s24 =	sld [smem:$0x3FFE];
	[sflag:s23] =	ssyncadd.s32 $0xFFFFFFFF  }
0xa5: {  	s26 =	simm.s32 $execute0_lowered;
	[smem:$0x3FD2] =	sst s25  }
0xa6: {  	s5 =	sshll.u32 s26, $0x1;
	_ =	strace $0x80000049;
	[dreg:$0x1] =	wrdreg $0xFFFFFFFF  }
0xa7: {  	s28 =	simm.s32 $_size_execute0_lowered;
	s3 =	sadd.s32 s3, s5;
	[dreg:$0x0] =	wrdreg $0x0  }
0xa8: {  	s5 =	sshll.u32 s28, $0x1;
	[dreg:$0x2] =	wrdreg s3  }
0xa9: {  	[dreg:$0x3] =	wrdreg s5  }
0xaa: {  	[dreg:$0x4] =	wrdreg $0xC0  }
0xab: {  	_ =	task [dreg:s7], $0x5FFFF  }
0xac: {  	[dreg:$0x1] =	wrdreg $0xFFFFFFFF  }
0xad: {  	[dreg:$0x0] =	wrdreg $0x60  }
0xae: {  	[dreg:$0x2] =	wrdreg s24  }
0xaf: {  	[dreg:$0x3] =	wrdreg s2  }
0xb0: {  	[dreg:$0x4] =	wrdreg $0x9  }
0xb1: {  	_ =	task.clear_ibuf [dreg:s7], $0x5FFFF;
	_ =	strace $0x90000049  }
0xb2: {  	s29 =	simm.s32 $0x9;
	_ =	strace $0x8000004B  }
0xb3: {  	_ =	swait.ge [sflag:s29], $0x1  }
0xb4: {  	[sflag:s29] =	ssyncadd.s32 $0xFFFFFFFF  }
0xb5: {  	_ =	strace $0x9000004B  }
0xb6: {  	_ =	sfence  }
0xb7: {  	s30 =	sld [smem:$0x0];
	_ =	sdelay $0x2  }
0xb8: {  	s31 =	sshll.u32 s1, $0xD;
	s1 =	sshrl.u32 s1, $0x2  }
0xb9: {  	s3 =	sand.u32 $0x4000, s31;
	s1 =	sadd.s32 s1, s30  }
0xba: {  	s0 =	sor.u32 s3, s0;
	s1 =	sshll.u32 s1, $0x11  }
0xbb: {  	s0 =	sor.u32 s1, s0  }
0xbc: {  	s0 =	sadd.s32 $0x8F2B, s0  }
0xbd: {  	[sflag:s0] =	ssyncadd.remote.s32 $0x1  }
0xbe: {  	_ =	sfence.sel $0xFFFF  }
0xbf: {  	[dreg:$0x0] =	wrdreg $0xFFFFFFFF;
	(pc) =	sbr.abs _section_cstart, $3  }
0xc0: {  	[dreg:$0x1] =	wrdreg $0xFFFFFFFF  }
0xc1: {  	_ =	task.clear_ibuf [dreg:s7], $0x2FFFF;
	_ =	strace $0x9FFFFFFF  }
0xc2: {  	(tm) =	ssettm $0x7FFFFFFF  }
0xc3: {  	_ =	shalt  }
tec
execute0_lowered:
.L_overlay_start_1:
0x0: {  	(tag) =	ssettag $0x1  }
0x1: {  	s0 =	srdreg.scid  }
0x2: {  	s1 =	sshll.u32 s0, $0x4  }
0x3: {  	s0 =	stileid.u32;
	s1 =	sand.u32 $0x10, s1  }
0x4: {  	s2 =	sor.u32 s0, s1  }
0x5: {  	s1 =	smin.u32 s2, $0x12  }
0x6: {  	s1 =	sadd.s32 s2, s1  }
0x7: {  	p0 =	slt.u32 s2, $0x12;
	s2 =	simm.s32 $0x140;
	s1 =	smul.u32 $0xA0, s1  }
0x8: {  	s2 =	simm.s32 @!p0 $0xA0  }
0x9: {  	s2 =	sadd.s32 s2, s1  }
0xa: {  	s3 =	smin.u32 s2, $0x1F40  }
0xb: {  	s7 =	ssub.s32 s3, s1  }
0xc: {  	p0 =	sgt.s32 s7, $0x0  }
0xd: {  	s7 =	simm.s32 @!p0 $0x0  }
0xe: {  	s4 =	rddreg [dreg:$0x0];
	s31 =	smul.u32 $0xCCCD, s7  }
0xf: {  	s5 =	rddreg [dreg:$0x1]  }
0x10: {  	s6 =	simm.s32 $0x1;
	s10 =	simm.s32 $0x3;
	s8 =	sshrl.u32 s31, $0x17  }
0x11: {  	s13 =	simm.s32 $0x0;
	s12 =	simm.s32 $0x0;
	s9 =	smul.u32 $0xA0, s8  }
.Ltmp0:
0x12: {  	s11 =	smov.u32 s1;
	s2 =	rddreg [dreg:$0x2];
	(pc) =	sbr.rel .LBB2_1-.Ltmp0, $4  }
0x13: {  	_ =	strace $0x8000004A;
	p0 =	sne.s32 s7, s9;
	s9 =	simm.s32 $0x1  }
0x14: {  	[sflag:s6] =	ssyncpa.u1 $0x0;
	s7 =	simm.s32 $0x2;
	s9 =	simm.s32 @!p0 $0x0  }
0x15: {  	[sflag:s7] =	ssyncpa.u1 $0x0;
	p0 =	por $0x0, $0x0;
	s8 =	sadd.s32 s8, s9  }
0x16: {  	vm0 =	vmmov $0xff;
	vm1 =	vcmask $0x3F20;
	s9 =	sadd.s32 $0x24A000, s4;
	[sflag:s10] =	ssyncpa.u1 $0x0;
	s10 =	sadd.s32 $0x1, s8  }
.LBB2_6:
0x17: {  	[hbm:s17] =	stream.linear.scatter [tilespmem:s14], [sflag:$0x3], $0x400, $0x38;
	[tilespmem:$0xA140] =	vst v63  }
.LBB2_7:
0x18: {  	s13 =	sadd.s32 $0xA0, s11  }
0x19: {  	s15 =	smov.u32 s1;
	p2 =	slt.s32 s13, s3  }
0x1a: {  	s15 =	smov.u32 @p2 s13;
	p2 =	sne.s32 s12, s10  }
.Ltmp1:
0x1b: {  	p1 =	slt.u32 s12, $0x2;
	(pc) =	sbr.rel @!p2 .LBB2_8-.Ltmp1, $4  }
0x1c: {  	s14 =	simm.s32 @!p1 $0x3  }
0x1d: {  	s16 =	sadd.s32 $0x1, s12;
	_ =	swait.ge @!p1 [sflag:s14], $0x5000  }
0x1e: {  	p0 =	por !p0, !p0;
	s13 =	smov.u32 s11;
	[sflag:s14] =	ssyncset.done @!p1 $0x0  }
0x1f: {  	s12 =	smov.u32 s16;
	s11 =	smov.u32 s15;
	[sflag:s14] =	ssyncadd.s32 @!p1 $0xFFFFB000  }
.LBB2_1:
0x20: {  	p1 =	sge.u32 s12, s8  }
0x21: {  	s14 =	sxor.u32 @!p1 $0xFFFFFFFF, s12  }
0x22: {  	s14 =	sand.u32 @!p1 $0x1, s14  }
0x23: {  	s14 =	smul.u32 @!p1 $0x280, s14  }
0x24: {  	s31 =	sadd.s32 $0xFFFFFFFF, s12;
	s15 =	sshrl.u32 @!p1 s11, $0x3  }
0x25: {  	s16 =	sand.u32 @!p1 $0x7, s11;
	s15 =	sadd.s32 @!p1 s5, s15;
	s14 =	sshrl.u32 @!p1 s14, $0x2  }
0x26: {  	[tilespmem:s14], [sflag:$0x2] =	stream.linear.gather @!p1 [hbm4b:s15+s16], $0xA0, $0x38;
	[tilespmem:$0xA140] =	vst v63  }
0x27: {  	p1 =	sge.u32 s31, s8  }
.Ltmp2:
0x28: {  	_ = 	snop;
	(pc) =	sbr.rel @p1 .LBB2_7-.Ltmp2, $1  }
0x29: {  	_ =	sdelay $0x3  }
0x2a: {  	s14 =	simm.s32 $0x1  }
0x2b: {  	s14 =	simm.s32 @!p0 $0x0  }
0x2c: {  	s15 =	smul.u32 $0x280, s14  }
0x2d: {  	_ =	swait.ge [sflag:s7], $0xA0  }
0x2e: {  	[sflag:s7] =	ssyncset.done $0x0;
	s16 =	sshrl.u32 s15, $0x2  }
0x2f: {  	[sflag:s7] =	ssyncadd.s32 $0xFFFFFF60;
	s15 =	sadd.s32 $0x0, s16  }
0x30: {  	v0 =	vld.msk [tilespmem:s15+$0x0 ss:$0x1], $0xffff;
	_ =	sdelay $0x4  }
0x31: {  	vm2 =	veq.s32 v0, $0x80000000;
	v1 =	vand.u32 $0x3, v0;
	v0 =	vshll.u32 v0, $0x7  }
0x32: {  	v1 =	vsel vm2, $0xFFFFFFFF, v1;
	v0 =	vand.u32 $0x1FFFE00, v0  }
0x33: {  	v0 =	vsel vm2, $0xFFFFFE00, v0;
	v2 =	vand.u32 $0xFFFFFE00, v1;
	v1 =	vshll.u32 v1, $0x7  }
0x34: {  	v0 =	vadd.s32 v2, v0;
	v1 =	vand.u32 $0x180, v1  }
0x35: {  	v0 =	vor.u32 v1, v0  }
0x36: {  	v0 =	vshrl.u32 v0, $0x3  }
0x37: {  	s14 =	smul.u32 $0x14000, s14;
	_ =	sdelay $0x1  }
0x38: {  	s14 =	sshrl.u32 s14, $0x2  }
0x39: {  	s14 =	sor.u32 $0x140, s14  }
0x3a: {  	[tilespmem:s14], [sflag:$0x1] =	stream.indirect_vreg.gather [hbm:s4], $0x80, v0, vm0, $0x38;
	[tilespmem:$0xA140] =	vst v63  }
0x3b: {  	s17 =	sadd.s32 $0x10, s16;
	s15 =	sadd.s32 $0x400, s14  }
0x3c: {  	[tilespmem:s15], [sflag:$0x1] =	stream.indirect_vreg.gather [hbm:s4], $0x80, v0, vm1, $0x38;
	[tilespmem:$0xA140] =	vst v63  }
0x3d: {  	s18 =	simm.s32 $0x80;
	v0 =	vld.msk [tilespmem:s17+$0x0 ss:$0x1], $0xffff;
	s17 =	smov.u32 s14  }
.LBB2_3:
0x3e: {  	p1 =	sne.s32 s18, $0x240;
	_ =	sdelay $0x4  }
0x3f: {  	vm2 =	veq.s32 v0, $0x80000000;
	v1 =	vand.u32 $0x3, v0;
	v0 =	vshll.u32 v0, $0x7  }
0x40: {  	v1 =	vsel vm2, $0xFFFFFFFF, v1;
	v0 =	vand.u32 $0x1FFFE00, v0  }
0x41: {  	v0 =	vsel vm2, $0xFFFFFE00, v0;
	v2 =	vand.u32 $0xFFFFFE00, v1;
	v1 =	vshll.u32 v1, $0x7  }
0x42: {  	v0 =	vadd.s32 v2, v0;
	v1 =	vand.u32 $0x180, v1  }
0x43: {  	v0 =	vor.u32 v1, v0  }
0x44: {  	v0 =	vshrl.u32 v0, $0x3;
	_ =	sdelay $0x3  }
.Ltmp3:
0x45: {  	s19 =	sshra.s32 s18, $0x2;
	s17 =	sadd.s32 $0x800, s17;
	(pc) =	sbr.rel @p1 .LBB2_3-.Ltmp3, $4  }
0x46: {  	[tilespmem:s17], [sflag:$0x1] =	stream.indirect_vreg.gather [hbm:s4], $0x80, v0, vm0, $0x38;
	[tilespmem:$0xA140] =	vst v63  }
0x47: {  	s19 =	sadd.s32 s19, s16;
	s20 =	sadd.s32 $0x400, s17  }
0x48: {  	[tilespmem:s20], [sflag:$0x1] =	stream.indirect_vreg.gather [hbm:s4], $0x80, v0, vm1, $0x38;
	[tilespmem:$0xA140] =	vst v63  }
0x49: {  	s18 =	sadd.s32 $0x40, s18;
	v0 =	vld.msk [tilespmem:s19+$0x0 ss:$0x1], $0xffff  }
0x4a: {  	_ =	sdelay $0x3  }
0x4b: {  	vm2 =	veq.s32 v0, $0x80000000;
	v1 =	vand.u32 $0x3, v0;
	v63 =	vshll.u32 v0, $0x7  }
0x4c: {  	v1 =	vsel vm2, $0xFFFFFFFF, v1;
	v0 =	vand.u32 $0x1FFFE00, v63  }
0x4d: {  	v0 =	vsel vm2, $0xFFFFFE00, v0;
	v2 =	vand.u32 $0xFFFFFE00, v1;
	v1 =	vshll.u32 v1, $0x7  }
0x4e: {  	v0 =	vadd.s32 v2, v0;
	v1 =	vand.u32 $0x180, v1  }
0x4f: {  	v0 =	vor.u32 v1, v0  }
0x50: {  	v0 =	vshrl.u32 v0, $0x3;
	_ =	sdelay $0x3  }
0x51: {  	s16 =	sadd.s32 $0x800, s17  }
0x52: {  	[tilespmem:s16], [sflag:$0x1] =	stream.indirect_vreg.gather [hbm:s4], $0x80, v0, vm0, $0x38;
	[tilespmem:$0xA140] =	vst v63  }
0x53: {  	s16 =	sadd.s32 $0x400, s16  }
0x54: {  	[tilespmem:s16], [sflag:$0x1] =	stream.indirect_vreg.gather [hbm:s4], $0x80, v0, vm1, $0x38;
	[tilespmem:$0xA140] =	vst v63  }
0x55: {  	s13 =	sshll.u32 s13, $0x4;
	_ =	swait.ge [sflag:s6], $0x5000  }
0x56: {  	s13 =	sadd.s32 s13, s9;
	[sflag:s6] =	ssyncset.done $0x0  }
0x57: {  	s17 =	sadd.s32 $0x0, s13;
	s16 =	simm.s32 $0x80;
	[sflag:s6] =	ssyncadd.s32 $0xFFFFB000  }
.LBB2_5:
0x58: {  	[hbm:s17] =	stream.linear.scatter [tilespmem:s14], [sflag:$0x3], $0x400, $0x38;
	[tilespmem:$0xA140] =	vst v63  }
0x59: {  	s17 =	smov.u32 s16;
	s14 =	smov.u32 s15;
	p1 =	sne.s32 s16, $0x980  }
.Ltmp4:
0x5a: {  	s16 =	sadd.s32 $0x80, s16;
	(pc) =	sbr.rel @p1 .LBB2_5-.Ltmp4, $2  }
0x5b: {  	_ =	sdelay $0x2  }
0x5c: {  	s15 =	sadd.s32 $0x400, s15;
	s17 =	sadd.s32 s17, s13  }
.Ltmp5:
0x5d: {  	_ = 	snop;
	(pc) =	sbr.rel .LBB2_6-.Ltmp5, $1  }
0x5e: {  	_ =	sdelay $0x3  }
.LBB2_8:
0x5f: {  	_ =	sfence.sel $0x180000  }
0x60: {  	s1 =	simm.s32 $0x2;
	[bflag:$0x0] =	sbarrier.arrive $0xFFFF  }
0x61: {  	s30 =	simm.s32 $0x3;
	[sflag:s1] =	ssyncpa.u1 $0x1  }
0x62: {  	s31 =	simm.s32 $0x1;
	[sflag:s30] =	ssyncpa.u1 $0x1  }
0x63: {  	[sflag:s31] =	ssyncpa.u1 $0x1  }
0x64: {  	p0 =	sne.s32 s0, $0x0;
	_ =	strace $0x9000004A  }
0x65: {  	s0 =	sadd.s32 @!p0 $0x100000, s2;
	[bflag:$0x2] =	sbarrier.arrive $0xFFFF  }
0x66: {  	[sflag:s0] =	ssyncadd.tile.s32 @!p0 $0x1;
	_ =	shalt  }
.Lfunc_end2:
_tile_overlayer_lowered:
.L_overlay_start_2:
0x67: {  	(tag) =	ssettag $0x2  }
0x68: {  	s0 =	rddreg [dreg:$0x0];
	s2 =	stileid.u32  }
0x69: {  	s1 =	rddreg [dreg:$0x1];
	p0 =	sne.s32 s2, $0x0  }
0x6a: {  	s3 =	rddreg [dreg:$0x2];
	[bflag:$0x3] =	sbarrier.arrive $0xFFFF;
	s2 =	simm.s32 @!p0 $0x1C01  }
0x6b: {  	[timem:s3], [sflag:s2] =	dma.local @!p0 [hbm:s0], s1  }
0x6c: {  	s0 =	simm.s32 @!p0 $0x1  }
0x6d: {  	_ =	swait.ge @!p0 [sflag:s0], s1  }
0x6e: {  	s1 =	ssub.s32 @!p0 $0x0, s1;
	[sflag:s0] =	ssyncset.done @!p0 $0x0  }
0x6f: {  	[sflag:s0] =	ssyncadd.s32 @!p0 s1  }
0x70: {  	[bflag:$0x3] =	sbarrier.arrive $0xFFFF  }
0x71: {  	_ =	shalt  }

// kernel: sparse-core-data-format-call.cloned.1.call-start
scs
called_computation_lowered:
.L_overlay_start_0:
0x0: {  	s1 =	sld [smem:$0x3FD9]  }
0x1: {  	s2 =	sld [smem:$0x3FFE];
	_ =	sdelay $0x1  }
0x2: {  	s3 =	srdreg.scid  }
0x3: {  	s0 =	sand.u32 $0x1, s3  }
0x4: {  	s17 =	sshll.u32 s0, $0xA;
	s1 =	sadd.s32 s2, s1  }
0x5: {  	s1 =	sadd.s32 s1, s17  }
0x6: {  	[smem:$0x3FC1] =	sst s1  }
0x7: {  	_ = 	snop  }
0x8: {  	(tm) =	ssettm $0x1  }
0x9: {  	s18 =	sld [smem:$0x3FFB];
	_ =	sdelay $0x3  }
0xa: {  	_ =	strace s18  }
0xb: {  	s1 =	sld [smem:$0x3FFC];
	_ =	sdelay $0x3  }
0xc: {  	_ =	strace s1  }
0xd: {  	s1 =	sld [smem:$0x3FFD];
	_ =	sdelay $0x3  }
0xe: {  	_ =	strace s1  }
0xf: {  	_ =	strace $0x8FFFFFFF  }
0x10: {  	s19 =	sld [smem:$0x3FDB];
	_ =	sdelay $0x1  }
0x11: {  	s20 =	simm.s32 $_scs_section_size  }
0x12: {  	s4 =	simm.s32 $_size__tile_overlayer_lowered;
	s5 =	simm.s32 $_tile_overlayer_lowered  }
0x13: {  	s23 =	simm.s32 $0x1BFF;
	s22 =	sshll.u32 s5, $0x1;
	s1 =	sadd.s32 s20, s19  }
0x14: {  	s6 =	simm.s32 $0x0;
	s21 =	sshll.u32 s4, $0x1;
	s4 =	sadd.s32 s22, s1  }
0x15: {  	[timem:s6], [sflag:s23] =	dma.local [hbm:s4], s21  }
0x16: {  	_ =	swait.ge [sflag:s23], s21  }
0x17: {  	s2 =	ssub.s32 $0x0, s21;
	[sflag:s23] =	ssyncset.done $0x0  }
0x18: {  	[sflag:s23] =	ssyncadd.s32 s2;
	_ =	sdelay $0x1  }
0x19: {  	s24 =	simm.s32 $0x1B8B  }
0x1a: {  	_ =	swait.ge [sflag:s24], $0x1  }
0x1b: {  	[sflag:s24] =	ssyncset.done $0x0  }
0x1c: {  	s26 =	simm.s32 $0x1B8E;
	s25 =	sld [smem:$0x3FFE];
	[sflag:s24] =	ssyncadd.s32 $0xFFFFFFFF  }
0x1d: {  	s27 =	simm.s32 $execute0_lowered;
	[smem:$0x3FD2] =	sst s26  }
0x1e: {  	s4 =	sshll.u32 s27, $0x1;
	_ =	strace $0x80000046;
	[dreg:$0x1] =	wrdreg $0xFFFFFFFF  }
0x1f: {  	s28 =	simm.s32 $_size_execute0_lowered;
	s1 =	sadd.s32 s1, s4;
	[dreg:$0x0] =	wrdreg $0x0  }
0x20: {  	s4 =	sshll.u32 s28, $0x1;
	[dreg:$0x2] =	wrdreg s1  }
0x21: {  	[dreg:$0x3] =	wrdreg s4  }
0x22: {  	[dreg:$0x4] =	wrdreg $0xC0  }
0x23: {  	_ =	task [dreg:s6], $0x5FFFF  }
0x24: {  	[dreg:$0x1] =	wrdreg $0xFFFFFFFF  }
0x25: {  	[dreg:$0x0] =	wrdreg $0x60  }
0x26: {  	[dreg:$0x2] =	wrdreg s25  }
0x27: {  	[dreg:$0x3] =	wrdreg $0x9  }
0x28: {  	_ =	task.clear_ibuf [dreg:s6], $0x4FFFF;
	_ =	strace $0x90000046  }
0x29: {  	s29 =	simm.s32 $0x9;
	_ =	strace $0x80000048  }
0x2a: {  	_ =	swait.ge [sflag:s29], $0x1  }
0x2b: {  	[sflag:s29] =	ssyncadd.s32 $0xFFFFFFFF  }
0x2c: {  	_ =	strace $0x90000048  }
0x2d: {  	_ =	sfence  }
0x2e: {  	s30 =	sld [smem:$0x0];
	_ =	sdelay $0x2  }
0x2f: {  	s31 =	sshll.u32 s3, $0xD;
	s3 =	sshrl.u32 s3, $0x2  }
0x30: {  	s2 =	sand.u32 $0x4000, s31;
	s1 =	sadd.s32 s3, s30  }
0x31: {  	s0 =	sor.u32 s2, s0;
	s1 =	sshll.u32 s1, $0x11  }
0x32: {  	s0 =	sor.u32 s1, s0  }
0x33: {  	s0 =	sadd.s32 $0x8F2B, s0  }
0x34: {  	[sflag:s0] =	ssyncadd.remote.s32 $0x1  }
0x35: {  	_ =	sfence.sel $0xFFFF  }
0x36: {  	[dreg:$0x0] =	wrdreg $0xFFFFFFFF;
	(pc) =	sbr.abs _section_cstart, $3  }
0x37: {  	[dreg:$0x1] =	wrdreg $0xFFFFFFFF  }
0x38: {  	_ =	task.clear_ibuf [dreg:s6], $0x2FFFF;
	_ =	strace $0x9FFFFFFF  }
0x39: {  	(tm) =	ssettm $0x7FFFFFFF  }
tec
execute0_lowered:
.L_overlay_start_1:
0x0: {  	(tag) =	ssettag $0x1  }
0x1: {  	s0 =	stileid.u32;
	s9 =	rddreg [dreg:$0x0]  }
0x2: {  	s1 =	rddreg [dreg:$0x1];
	s4 =	srdreg.scid;
	_ =	strace $0x80000047  }
0x3: {  	s31 =	simm.s32 $0x2;
	s16 =	simm.s32 $0x0;
	s2 =	sshrl.u32 s0, $0x2  }
0x4: {  	s11 =	simm.s32 $0x40;
	s12 =	simm.s32 $0x1C00;
	s2 =	sand.u32 $0x2, s2  }
0x5: {  	s3 =	sand.u32 $0x7, s0;
	s4 =	sshll.u32 s4, $0x7;
	s5 =	ssub.s32 $0x4, s2  }
0x6: {  	s4 =	sand.u32 $0x80, s4;
	s6 =	ssub.s32 $0x39, s3;
	s7 =	sshrl.u32 s5, $0x1  }
0x7: {  	s8 =	ssub.s32 $0x100, s4;
	s5 =	sshrl.u32 s5, $0x2;
	s7 =	sand.u32 $0x1, s7  }
0x8: {  	s6 =	sshrl.u32 s6, $0x3;
	s29 =	sshrl.u32 s8, $0x7;
	s5 =	sadd.s32 s5, s7  }
0x9: {  	s8 =	sshrl.u32 s8, $0x8;
	s7 =	sand.u32 $0x1, s29;
	s6 =	smul.u32 s5, s6  }
0xa: {  	s19 =	simm.s32 $0x0;
	s18 =	simm.s32 $0x0;
	s7 =	sadd.s32 s8, s7  }
0xb: {  	s17 =	simm.s32 $0x0;
	s14 =	simm.s32 $0x0;
	s7 =	smul.u32 s7, s6  }
.Ltmp0:
0xc: {  	s15 =	simm.s32 $0x0;
	s13 =	smov.u32 s3;
	(pc) =	sbr.rel .LBB1_1-.Ltmp0, $4  }
0xd: {  	s30 =	sshll.u32 s4, $0x2;
	s10 =	sshll.u32 s2, $0x7;
	s5 =	simm.s32 $0x1  }
0xe: {  	s8 =	sor.u32 s10, s30;
	[sflag:s5] =	ssyncpa.u1 $0x0;
	s7 =	smul.u32 $0x9, s7  }
0xf: {  	s8 =	sshrl.u32 s8, $0x3;
	s6 =	sadd.s32 $0x2BF200, s9;
	[sflag:s31] =	ssyncpa.u1 $0x0  }
0x10: {  	s8 =	sadd.s32 s9, s8;
	s9 =	sadd.s32 $0x4B7200, s9;
	s10 =	sadd.s32 $0x1, s7  }
.LBB1_7:
0x11: {  	s20 =	sadd.s32 $0x8, s13  }
0x12: {  	s16 =	simm.s32 $0x1;
	p1 =	sgt.s32 s20, $0x31  }
0x13: {  	s16 =	simm.s32 @!p1 $0x0  }
0x14: {  	s21 =	sadd.s32 s16, s14  }
0x15: {  	s20 =	smov.u32 @p1 s3;
	p1 =	sgt.s32 s21, $0x8  }
0x16: {  	p0 =	slt.u32 s15, $0x2;
	s21 =	simm.s32 @p1 $0x0;
	p1 =	sne.s32 s15, s10  }
.Ltmp1:
0x17: {  	s19 =	simm.s32 @!p0 $0x2;
	(pc) =	sbr.rel @!p1 .LBB1_8-.Ltmp1, $4  }
0x18: {  	s22 =	sadd.s32 $0x1, s15;
	_ =	swait.ge @!p0 [sflag:s19], $0x4000  }
0x19: {  	s18 =	smov.u32 s13;
	s17 =	smov.u32 s14;
	[sflag:s19] =	ssyncset.done @!p0 $0x0  }
0x1a: {  	s16 =	smov.u32 s4;
	s13 =	smov.u32 s20;
	[sflag:s19] =	ssyncadd.s32 @!p0 $0xFFFFC000  }
0x1b: {  	s19 =	smov.u32 s2;
	s15 =	smov.u32 s22;
	s14 =	smov.u32 s21  }
.LBB1_1:
0x1c: {  	p0 =	sge.u32 s15, s7  }
0x1d: {  	p1 =	sgt.s32 @!p0 s14, $0x8  }
0x1e: {  	s20 =	smov.u32 s14;
	s22 =	smov.u32 s13;
	p1 =	por !p1, p0  }
0x1f: {  	s21 =	sshra.s32 @!p0 s14, $0x1F;
	s20 =	simm.s32 @p1 $0x8;
	p1 =	sgt.s32 @!p0 s13, $0x31  }
0x20: {  	s23 =	sshra.s32 @!p0 s13, $0x1F;
	s21 =	sand.u32 @!p0 s21, s14;
	p1 =	por !p1, p0  }
0x21: {  	s23 =	sand.u32 @!p0 s23, s13;
	s20 =	ssub.s32 @!p0 s20, s21;
	s22 =	simm.s32 @p1 $0x31  }
0x22: {  	s31 =	sadd.s32 $0xFFFFFFFF, s15;
	s21 =	ssub.s32 @!p0 s22, s23;
	s22 =	sadd.s32 @!p0 $0xFFFFFFF8, s20  }
0x23: {  	s20 =	ssub.s32 @!p0 $0x9, s20;
	s23 =	sadd.s32 @!p0 $0xFFFFFFCF, s21;
	p1 =	sgt.s32 @!p0 s22, $0x0  }
0x24: {  	s20 =	smul.u32 @!p0 $0x3200, s20;
	s21 =	ssub.s32 @!p0 $0x32, s21;
	p2 =	sgt.s32 @!p0 s23, $0x0  }
0x25: {  	s22 =	smul.u32 @!p0 $0x4E200, s14;
	p1 =	por !p1, p0;
	p2 =	por !p2, p0  }
0x26: {  	s23 =	smul.u32 @!p0 $0x1900, s13;
	s20 =	simm.s32 @!p1 $0x0;
	s21 =	simm.s32 @!p2 $0x0  }
0x27: {  	s22 =	sadd.s32 @!p0 s22, s8;
	s20 =	smul.u32 @!p0 s21, s20;
	s21 =	sxor.u32 @!p0 $0xFFFFFFFF, s15  }
0x28: {  	s24 =	simm.s32 @!p0 $0x400;
	s22 =	sadd.s32 @!p0 s23, s22;
	s21 =	sshll.u32 @!p0 s21, $0xE  }
0x29: {  	s23 =	simm.s32 @!p0 $0x100;
	s21 =	sand.u32 @!p0 $0x4000, s21;
	s20 =	sand.u32 @!p0 $0x3FFFFE00, s20  }
0x2a: {  	[tilespmem:s21], [sflag:$0x1] =	stream.strided.gather @!p0 [hbm4b:s22+s23], s20, s24, s23, $0x38;
	[tilespmem:$0x10200] =	vst v63  }
0x2b: {  	p0 =	sge.u32 s31, s7  }
.Ltmp2:
0x2c: {  	_ = 	snop;
	(pc) =	sbr.rel @p0 .LBB1_7-.Ltmp2, $1  }
0x2d: {  	_ =	sdelay $0x3  }
0x2e: {  	p0 =	sgt.s32 s17, $0x8;
	s20 =	smov.u32 s17  }
0x2f: {  	s21 =	sshra.s32 s17, $0x1F;
	s22 =	smov.u32 s18;
	s23 =	sshra.s32 s18, $0x1F  }
0x30: {  	s20 =	simm.s32 @!p0 $0x8;
	s21 =	sand.u32 s21, s17;
	p0 =	sgt.s32 s18, $0x31  }
0x31: {  	s28 =	sand.u32 s23, s18;
	s20 =	ssub.s32 s20, s21;
	s22 =	simm.s32 @!p0 $0x31  }
0x32: {  	s29 =	ssub.s32 $0x9, s20;
	s21 =	ssub.s32 s22, s28  }
0x33: {  	s20 =	sadd.s32 $0xFFFFFFF8, s20;
	s22 =	sadd.s32 $0xFFFFFFCF, s21;
	s23 =	smul.u32 $0x3200, s29  }
0x34: {  	p0 =	sgt.s32 s20, $0x0;
	s20 =	ssub.s32 $0x32, s21;
	p1 =	sgt.s32 s22, $0x0  }
0x35: {  	s20 =	simm.s32 @p1 $0x0;
	s23 =	simm.s32 @p0 $0x0  }
0x36: {  	s20 =	smul.u32 s20, s23;
	_ =	sdelay $0x1  }
0x37: {  	s30 =	sand.u32 $0x1, s15;
	s20 =	sand.u32 $0x3FFFFE00, s20  }
0x38: {  	s31 =	smul.u32 $0x10400, s30;
	_ =	swait.ge [sflag:s5], s20  }
0x39: {  	s20 =	ssub.s32 $0x0, s20;
	[sflag:s5] =	ssyncset.done $0x0  }
0x3a: {  	[sflag:s5] =	ssyncadd.s32 s20;
	s20 =	sshrl.u32 s31, $0x2  }
0x3b: {  	s22 =	sshll.u32 s30, $0xE;
	s23 =	simm.s32 $0x0;
	s21 =	sor.u32 $0x8000, s20  }
.LBB1_3:
0x3c: {  	s24 =	sshll.u32 s23, $0x8  }
0x3d: {  	s24 =	sand.u32 $0x3FFFFF00, s24  }
0x3e: {  	s24 =	sadd.s32 s24, s22  }
0x3f: {  	v0 =	vmov s24;
	_ =	sdelay $0x1  }
0x40: {  	p0 =	por $0x1, $0x1;
	s24 =	simm.s32 $0x0  }
.LBB1_4:
0x41: {  	s25 =	sshll.u32 s24, $0x7  }
0x42: {  	s25 =	sand.u32 $0x3FFFFF80, s25  }
0x43: {  	s31 =	smul.u32 $0x8200, s24;
	v1 =	vld.idx.msk [tilespmem:v0+s25+$0x0 ss:$0x1], $0xffff  }
0x44: {  	v2 =	vld.idx.msk [tilespmem:v0+s25+$0x10 ss:$0x1], $0xffff  }
0x45: {  	s24 =	sshra.s32 s31, $0x2;
	v3 =	vld.idx.msk [tilespmem:v0+s25+$0x20 ss:$0x1], $0xffff  }
0x46: {  	v4 =	vld.idx.msk [tilespmem:v0+s25+$0x30 ss:$0x1], $0xffff;
	s24 =	sadd.s32 s24, s21  }
0x47: {  	v5 =	vld.idx.msk [tilespmem:v0+s25+$0x40 ss:$0x1], $0xffff;
	s24 =	sadd.s32 s23, s24  }
0x48: {  	[tilespmem:s24+$0x0 ss:$0x41] =	vst.msk $0xffff, v1;
	v1 =	vld.idx.msk [tilespmem:v0+s25+$0x50 ss:$0x1], $0xffff  }
0x49: {  	[tilespmem:s24+$0x410 ss:$0x41] =	vst.msk $0xffff, v2;
	v2 =	vld.idx.msk [tilespmem:v0+s25+$0x60 ss:$0x1], $0xffff  }
0x4a: {  	p1 =	por p0, p0;
	[tilespmem:s24+$0x820 ss:$0x41] =	vst.msk $0xffff, v3;
	v3 =	vld.idx.msk [tilespmem:v0+s25+$0x70 ss:$0x1], $0xffff  }
.Ltmp3:
0x4b: {  	[tilespmem:s24+$0xC30 ss:$0x41] =	vst.msk $0xffff, v4;
	(pc) =	sbr.rel @p1 .LBB1_4-.Ltmp3, $4  }
0x4c: {  	[tilespmem:s24+$0x1040 ss:$0x41] =	vst.msk $0xffff, v5  }
0x4d: {  	[tilespmem:s24+$0x1450 ss:$0x41] =	vst.msk $0xffff, v1  }
0x4e: {  	[tilespmem:s24+$0x1860 ss:$0x41] =	vst.msk $0xffff, v2  }
0x4f: {  	p0 =	por $0x0, $0x0;
	[tilespmem:s24+$0x1C70 ss:$0x41] =	vst.msk $0xffff, v3;
	s24 =	simm.s32 $0x1  }
0x50: {  	s23 =	sadd.s32 $0x1, s23  }
0x51: {  	p0 =	sne.s32 s23, $0x40  }
.Ltmp4:
0x52: {  	_ = 	snop;
	(pc) =	sbr.rel @p0 .LBB1_3-.Ltmp4, $1  }
0x53: {  	_ =	sdelay $0x3  }
0x54: {  	s18 =	sand.u32 $0x1FFFFFF, s18;
	s19 =	smul.u32 $0x1F8000, s19  }
0x55: {  	s22 =	smulhi.u32 $0x4924925, s18  }
0x56: {  	s17 =	smul.u32 $0x38000, s17  }
0x57: {  	s22 =	smul.u32 $0x38, s22  }
0x58: {  	s16 =	smul.u32 $0x380, s16;
	s23 =	sadd.s32 s17, s19;
	s17 =	sadd.s32 s17, s9  }
0x59: {  	s30 =	sadd.s32 s6, s23;
	s17 =	sadd.s32 s19, s17;
	s18 =	ssub.s32 s18, s22  }
.Ltmp5:
0x5a: {  	s22 =	sadd.s32 s16, s30;
	s18 =	sshll.u32 s18, $0x4;
	(pc) =	sbr.rel .LBB1_7-.Ltmp5, $4  }
0x5b: {  	s16 =	sadd.s32 s16, s17;
	s22 =	sadd.s32 s18, s22  }
0x5c: {  	[hbm4b:s22+s11] =	stream.strided.scatter [tilespmem:s21], [sflag:$0x2], $0x2000, s12, s11, $0x18;
	[tilespmem:$0x10200] =	vst v63  }
0x5d: {  	s31 =	sadd.s32 $0xA080, s20;
	s16 =	sadd.s32 s18, s16  }
0x5e: {  	[hbm4b:s16+s11] =	stream.strided.scatter [tilespmem:s31], [sflag:$0x2], $0x2000, s12, s11, $0x18;
	[tilespmem:$0x10200] =	vst v63  }
.LBB1_8:
0x5f: {  	_ =	sfence.sel $0x180000  }
0x60: {  	s2 =	simm.s32 $0x1;
	[bflag:$0x0] =	sbarrier.arrive $0xFFFF  }
0x61: {  	s31 =	simm.s32 $0x2;
	[sflag:s2] =	ssyncpa.u1 $0x1  }
0x62: {  	[sflag:s31] =	ssyncpa.u1 $0x1  }
0x63: {  	p0 =	sne.s32 s0, $0x0;
	_ =	strace $0x90000047  }
0x64: {  	s0 =	sadd.s32 @!p0 $0x100000, s1;
	[bflag:$0x2] =	sbarrier.arrive $0xFFFF  }
0x65: {  	[sflag:s0] =	ssyncadd.tile.s32 @!p0 $0x1;
	_ =	shalt  }
.Lfunc_end1:
_tile_overlayer_lowered:
.L_overlay_start_2:
0x66: {  	(tag) =	ssettag $0x2  }
0x67: {  	s0 =	rddreg [dreg:$0x0];
	s2 =	stileid.u32  }
0x68: {  	s1 =	rddreg [dreg:$0x1];
	p0 =	sne.s32 s2, $0x0  }
0x69: {  	s3 =	rddreg [dreg:$0x2];
	[bflag:$0x3] =	sbarrier.arrive $0xFFFF;
	s2 =	simm.s32 @!p0 $0x1C01  }
0x6a: {  	[timem:s3], [sflag:s2] =	dma.local @!p0 [hbm:s0], s1  }
0x6b: {  	s0 =	simm.s32 @!p0 $0x1  }
0x6c: {  	_ =	swait.ge @!p0 [sflag:s0], s1  }
0x6d: {  	s1 =	ssub.s32 @!p0 $0x0, s1;
	[sflag:s0] =	ssyncset.done @!p0 $0x0  }
0x6e: {  	[sflag:s0] =	ssyncadd.s32 @!p0 s1  }
0x6f: {  	[bflag:$0x3] =	sbarrier.arrive $0xFFFF  }
0x70: {  	_ =	shalt  }

</sc_bundles>
